<compile_context>
chip_gen: v7x
topology: tpu7x:2x2x1
jax: 0.10.2.dev20260603
libtpu: 0.0.44.dev20260713+nightly
codegen_flags: <defaults>
</compile_context>

<pallas_src>
import functools

import jax
import jax.numpy as jnp
from jax import lax
from jax.experimental import pallas as pl
from jax.experimental.pallas import tpu as pltpu
from jax.experimental.pallas import tpu_sc as plsc

T = 32768
D = 768
E = 64
K = 8
BT = 4096
NW = 32
TW = T // NW
GT = 512


def _logits_kernel(x_ref, wt_ref, lt_ref):
    x = x_ref[...]
    wt = wt_ref[...]
    lt_ref[...] = jnp.dot(x, wt, preferred_element_type=jnp.float32)


def _merge(ak, av, bk, bv, ii, shift_idx):
    bsk = bk.at[shift_idx].get(mode="promise_in_bounds")
    bsv = bv.at[shift_idx].get(mode="promise_in_bounds")
    ck = jnp.where(ii < 8, ak, bsk)
    cv = jnp.where(ii < 8, av, bsv)
    return plsc.sort_key_val(ck, cv, descending=True)


def _sc_topk(lt_hbm, idx_hbm, w_hbm, buf, idxb, wb):
    wid = lax.axis_index("s") * 2 + lax.axis_index("c")
    tok0 = wid * TW
    ii = lax.iota(jnp.int32, 16)
    shift_idx = jnp.maximum(ii - 8, 0)

    def group(g, _):
        gbase = tok0 + g * GT
        pltpu.sync_copy(lt_hbm.at[pl.ds(gbase * E, GT * E)], buf)

        def token(t, _):
            ks = []
            vs = []
            for q in range(4):
                rows = ii + 16 * q
                kq = buf[pl.ds(t * E + 16 * q, 16)]
                sk, sv = plsc.sort_key_val(kq, rows, descending=True)
                ks.append(sk)
                vs.append(sv)
            mk0, mv0 = _merge(ks[0], vs[0], ks[1], vs[1], ii, shift_idx)
            mk1, mv1 = _merge(ks[2], vs[2], ks[3], vs[3], ii, shift_idx)
            mk, mv = _merge(mk0, mv0, mk1, mv1, ii, shift_idx)

            m0 = jnp.max(mk)
            e = jnp.exp(mk - m0)
            es = jnp.where(ii < 8, e, 0.0)
            s = jnp.sum(es)
            w = e / jnp.broadcast_to(s, (16,))

            idxb[pl.ds(t * 16, 16)] = mv
            wb[pl.ds(t * 16, 16)] = w
            return ()

        lax.fori_loop(0, GT, token, (), unroll=4)
        pltpu.sync_copy(idxb, idx_hbm.at[pl.ds(gbase * 16, GT * 16)])
        pltpu.sync_copy(wb, w_hbm.at[pl.ds(gbase * 16, GT * 16)])
        return ()

    lax.fori_loop(0, TW // GT, group, ())


@jax.jit
def kernel(hidden_states, wg_weight):
    wt = wg_weight.astype(jnp.float32).T
    x = hidden_states.astype(jnp.float32)

    lt = pl.pallas_call(
        _logits_kernel,
        grid=(T // BT,),
        in_specs=[
            pl.BlockSpec((BT, D), lambda i: (i, 0)),
            pl.BlockSpec((D, E), lambda i: (0, 0)),
        ],
        out_specs=pl.BlockSpec((BT, E), lambda i: (i, 0)),
        out_shape=jax.ShapeDtypeStruct((T, E), jnp.float32),
    )(x, wt)

    mesh = plsc.VectorSubcoreMesh(core_axis_name="c", subcore_axis_name="s")
    idx16, w16 = functools.partial(
        pl.kernel,
        mesh=mesh,
        compiler_params=pltpu.CompilerParams(needs_layout_passes=False),
        out_type=[
            jax.ShapeDtypeStruct((T * 16,), jnp.int32),
            jax.ShapeDtypeStruct((T * 16,), jnp.float32),
        ],
        scratch_types=[
            pltpu.VMEM((GT * E,), jnp.float32),
            pltpu.VMEM((GT * 16,), jnp.int32),
            pltpu.VMEM((GT * 16,), jnp.float32),
        ],
    )(_sc_topk)(lt.reshape(T * E))

    idx = idx16.reshape(T, 16)[:, :K]
    w = w16.reshape(T, 16)[:, :K]
    return idx, w.astype(hidden_states.dtype)

# --- scband reference (transcript-rebuilt; emitter-appended) ---
"""Pipeline reference for scband-hun-yuan-mo-egate-56650618635036 (READ-ONLY COPY).

The authoritative reference and input builder live on the scoring server;
editing this copy changes nothing except your own understanding.
"""

import jax, jax.numpy as jnp
import numpy as np

T = 32768
D = 768
E = 64
K = 8

def setup_inputs(seed: int = 0) -> dict:
    key = jax.random.key(seed)
    k1, k2 = jax.random.split(key)
    hidden_states = jax.random.normal(k1, (T, D), dtype=jnp.float32)
    # gate weight, nn.Linear(hidden_size, num_experts): weight shape [E, D]
    wg_weight = jax.random.normal(k2, (E, D), dtype=jnp.float32) * (1.0 / np.sqrt(D))
    return {"hidden_states": hidden_states, "wg_weight": wg_weight}

def reference(hidden_states, wg_weight):
    # logits = F.linear(x.float(), W.float()) -> x @ W.T
    logits = jnp.dot(hidden_states.astype(jnp.float32), wg_weight.astype(jnp.float32).T)
    gates = jax.nn.softmax(logits, axis=-1)
    topk_weights, topk_indices = jax.lax.top_k(gates, K)
    topk_weights = topk_weights / jnp.sum(topk_weights, axis=-1, keepdims=True)
    return (topk_indices, topk_weights.astype(hidden_states.dtype))

if __name__ == "__main__":
    import jax
    _d = setup_inputs()
    print(jax.jit(kernel)(*tuple(_d.values())))

</pallas_src>

<mosaic_0001>
#map = affine_map<(d0, d1) -> (0)>
module attributes {stable_mosaic.version = 14 : i64} {
  func.func @_sc_topk(%arg0: i32, %arg1: i32, %arg2: memref<2097152xf32, #tpu.memory_space<hbm>>, %arg3: memref<524288xi32, #tpu.memory_space<hbm>>, %arg4: memref<524288xf32, #tpu.memory_space<hbm>>, %arg5: memref<32768xf32, #tpu.memory_space<vmem>>, %arg6: memref<8192xi32, #tpu.memory_space<vmem>>, %arg7: memref<8192xf32, #tpu.memory_space<vmem>>) attributes {dimension_semantics = [#tpu.dimension_semantics<core_parallel>, #tpu.dimension_semantics<subcore_parallel>], iteration_bounds = array<i64: 2, 16>, scalar_prefetch = 0 : i64, scratch_operands = 3 : i64, tpu.core_type = #tpu.core_type<sc_vector_subcore>, window_params = [{transform_indices = #map}, {transform_indices = #map}, {transform_indices = #map}]} {
    %mul3A = arith.constant 2 : i32
    %mul3A_0 = arith.muli %arg1, %mul3A : i32
    %add3A = arith.addi %mul3A_0, %arg0 : i32
    %mul3A_1 = arith.constant 1024 : i32
    %mul3A_2 = arith.muli %add3A, %mul3A_1 : i32
    %iota3A = tpu.iota {dimensions = array<i32: 0>} : vector<16xi32>
    %sub3A = arith.constant 8 : i32
    %sub3A_3 = vector.broadcast %sub3A : i32 to vector<16xi32>
    %sub3A_4 = arith.subi %iota3A, %sub3A_3 : vector<16xi32>
    %max3A = arith.constant 0 : i32
    %max3A_5 = vector.broadcast %max3A : i32 to vector<16xi32>
    %max3A_6 = arith.maxsi %sub3A_4, %max3A_5 : vector<16xi32>
    %scan3A = arith.constant 0 : i32
    %scan3A_7 = arith.constant 2 : i32
    %scan3A_8 = arith.addi %scan3A, %scan3A_7 : i32
    %scan3A_9 = arith.constant 1 : i32
    scf.for %scan3A_11 = %scan3A to %scan3A_8 step %scan3A_9  : i32 {
      %mul3A_12 = arith.constant 512 : i32
      %mul3A_13 = arith.muli %scan3A_11, %mul3A_12 : i32
      %add3A_14 = arith.addi %mul3A_2, %mul3A_13 : i32
      %mul3A_15 = arith.constant 64 : i32
      %mul3A_16 = arith.muli %add3A_14, %mul3A_15 : i32
      "tpu.region"() ({
        %run_scoped3A = tpu.sem_alloc : memref<!tpu.dma_semaphore, #tpu.memory_space<semaphore_mem>>
        %dma_start3A = tpu.memref_slice %arg2[%mul3A_16] : memref<2097152xf32, #tpu.memory_space<hbm>> -> memref<32768xf32, #tpu.memory_space<hbm>>
        %dma_start3A_26 = tpu.memref_slice %arg2[%mul3A_16] : memref<2097152xf32, #tpu.memory_space<hbm>> -> memref<32768xf32, #tpu.memory_space<hbm>>
        tpu.enqueue_dma source(%dma_start3A_26 : memref<32768xf32, #tpu.memory_space<hbm>>) target(%arg5 : memref<32768xf32, #tpu.memory_space<vmem>>) target_semaphore(%run_scoped3A : memref<!tpu.dma_semaphore, #tpu.memory_space<semaphore_mem>>)
        %dma_wait3A = tpu.memref_slice %arg2[%mul3A_16] : memref<2097152xf32, #tpu.memory_space<hbm>> -> memref<32768xf32, #tpu.memory_space<hbm>>
        %dma_wait3A_27 = tpu.memref_slice %arg2[%mul3A_16] : memref<2097152xf32, #tpu.memory_space<hbm>> -> memref<32768xf32, #tpu.memory_space<hbm>>
        tpu.wait_dma2 semaphore(%run_scoped3A : memref<!tpu.dma_semaphore, #tpu.memory_space<semaphore_mem>>) src(%dma_wait3A_27 : memref<32768xf32, #tpu.memory_space<hbm>>) dst(%arg5 : memref<32768xf32, #tpu.memory_space<vmem>>)
        tpu.yield
      }) : () -> ()
      %scan3A_17 = arith.constant 0 : i32
      %scan3A_18 = arith.constant 512 : i32
      %scan3A_19 = arith.addi %scan3A_17, %scan3A_18 : i32
      %scan3A_20 = arith.constant 4 : i32
      scf.for %scan3A_26 = %scan3A_17 to %scan3A_19 step %scan3A_20  : i32 {
        %add3A_27 = arith.constant 0 : i32
        %add3A_28 = vector.broadcast %add3A_27 : i32 to vector<16xi32>
        %add3A_29 = arith.addi %iota3A, %add3A_28 : vector<16xi32>
        %mul3A_30 = arith.constant 64 : i32
        %mul3A_31 = arith.muli %scan3A_26, %mul3A_30 : i32
        %add3A_32 = arith.constant 0 : i32
        %add3A_33 = arith.addi %mul3A_31, %add3A_32 : i32
        %get3A = arith.index_cast %add3A_33 : i32 to index
        %get3A_34 = tpu.vector_load %arg5[%get3A] {strides = array<i32>} : memref<32768xf32, #tpu.memory_space<vmem>>, vector<16xf32>,
        %masked_sort3A = arith.constant dense<true> : vector<16xi1>
        %masked_sort3A_35, %masked_sort3A_36, %masked_sort3A_37 = tpu.sort %get3A_34, %add3A_29 masked %masked_sort3A {descending = true} : (vector<16xf32>, vector<16xi32>, vector<16xi1>) -> (vector<16xi1>, vector<16xf32>, vector<16xi32>)
        %add3A_38 = arith.constant 16 : i32
        %add3A_39 = vector.broadcast %add3A_38 : i32 to vector<16xi32>
        %add3A_40 = arith.addi %iota3A, %add3A_39 : vector<16xi32>
        %mul3A_41 = arith.constant 64 : i32
        %mul3A_42 = arith.muli %scan3A_26, %mul3A_41 : i32
        %add3A_43 = arith.constant 16 : i32
        %add3A_44 = arith.addi %mul3A_42, %add3A_43 : i32
        %get3A_45 = arith.index_cast %add3A_44 : i32 to index
        %get3A_46 = tpu.vector_load %arg5[%get3A_45] {strides = array<i32>} : memref<32768xf32, #tpu.memory_space<vmem>>, vector<16xf32>,
        %masked_sort3A_47 = arith.constant dense<true> : vector<16xi1>
        %masked_sort3A_48, %masked_sort3A_49, %masked_sort3A_50 = tpu.sort %get3A_46, %add3A_40 masked %masked_sort3A_47 {descending = true} : (vector<16xf32>, vector<16xi32>, vector<16xi1>) -> (vector<16xi1>, vector<16xf32>, vector<16xi32>)
        %add3A_51 = arith.constant 32 : i32
        %add3A_52 = vector.broadcast %add3A_51 : i32 to vector<16xi32>
        %add3A_53 = arith.addi %iota3A, %add3A_52 : vector<16xi32>
        %mul3A_54 = arith.constant 64 : i32
        %mul3A_55 = arith.muli %scan3A_26, %mul3A_54 : i32
        %add3A_56 = arith.constant 32 : i32
        %add3A_57 = arith.addi %mul3A_55, %add3A_56 : i32
        %get3A_58 = arith.index_cast %add3A_57 : i32 to index
        %get3A_59 = tpu.vector_load %arg5[%get3A_58] {strides = array<i32>} : memref<32768xf32, #tpu.memory_space<vmem>>, vector<16xf32>,
        %masked_sort3A_60 = arith.constant dense<true> : vector<16xi1>
        %masked_sort3A_61, %masked_sort3A_62, %masked_sort3A_63 = tpu.sort %get3A_59, %add3A_53 masked %masked_sort3A_60 {descending = true} : (vector<16xf32>, vector<16xi32>, vector<16xi1>) -> (vector<16xi1>, vector<16xf32>, vector<16xi32>)
        %add3A_64 = arith.constant 48 : i32
        %add3A_65 = vector.broadcast %add3A_64 : i32 to vector<16xi32>
        %add3A_66 = arith.addi %iota3A, %add3A_65 : vector<16xi32>
        %mul3A_67 = arith.constant 64 : i32
        %mul3A_68 = arith.muli %scan3A_26, %mul3A_67 : i32
        %add3A_69 = arith.constant 48 : i32
        %add3A_70 = arith.addi %mul3A_68, %add3A_69 : i32
        %get3A_71 = arith.index_cast %add3A_70 : i32 to index
        %get3A_72 = tpu.vector_load %arg5[%get3A_71] {strides = array<i32>} : memref<32768xf32, #tpu.memory_space<vmem>>, vector<16xf32>,
        %masked_sort3A_73 = arith.constant dense<true> : vector<16xi1>
        %masked_sort3A_74, %masked_sort3A_75, %masked_sort3A_76 = tpu.sort %get3A_72, %add3A_66 masked %masked_sort3A_73 {descending = true} : (vector<16xf32>, vector<16xi32>, vector<16xi1>) -> (vector<16xi1>, vector<16xf32>, vector<16xi32>)
        %lt3A = arith.constant 0 : i32
        %lt3A_77 = vector.broadcast %lt3A : i32 to vector<16xi32>
        %lt3A_78 = arith.cmpi slt, %max3A_6, %lt3A_77 : vector<16xi32>
        %add3A_79 = arith.constant 16 : i32
        %add3A_80 = vector.broadcast %add3A_79 : i32 to vector<16xi32>
        %add3A_81 = arith.addi %max3A_6, %add3A_80 : vector<16xi32>
        %select_n3A = arith.select %lt3A_78, %add3A_81, %max3A_6 : vector<16xi1>, vector<16xi32>
        %broadcast_in_dim3A = vector.shape_cast %select_n3A : vector<16xi32> to vector<16x1xi32>
        %gather3A = vector.shape_cast %broadcast_in_dim3A : vector<16x1xi32> to vector<16xi32>
        %gather3A_82 = tpu.dynamic_gather %masked_sort3A_49[%gather3A] in [0] : vector<16xf32>, vector<16xi32> -> vector<16xf32>
        %lt3A_83 = arith.constant 0 : i32
        %lt3A_84 = vector.broadcast %lt3A_83 : i32 to vector<16xi32>
        %lt3A_85 = arith.cmpi slt, %max3A_6, %lt3A_84 : vector<16xi32>
        %add3A_86 = arith.constant 16 : i32
        %add3A_87 = vector.broadcast %add3A_86 : i32 to vector<16xi32>
        %add3A_88 = arith.addi %max3A_6, %add3A_87 : vector<16xi32>
        %select_n3A_89 = arith.select %lt3A_85, %add3A_88, %max3A_6 : vector<16xi1>, vector<16xi32>
        %broadcast_in_dim3A_90 = vector.shape_cast %select_n3A_89 : vector<16xi32> to vector<16x1xi32>
        %gather3A_91 = vector.shape_cast %broadcast_in_dim3A_90 : vector<16x1xi32> to vector<16xi32>
        %gather3A_92 = tpu.dynamic_gather %masked_sort3A_50[%gather3A_91] in [0] : vector<16xi32>, vector<16xi32> -> vector<16xi32>
        %lt3A_93 = arith.constant 8 : i32
        %lt3A_94 = vector.broadcast %lt3A_93 : i32 to vector<16xi32>
        %lt3A_95 = arith.cmpi slt, %iota3A, %lt3A_94 : vector<16xi32>
        %select_n3A_96 = arith.select %lt3A_95, %masked_sort3A_36, %gather3A_82 : vector<16xi1>, vector<16xf32>
        %lt3A_97 = arith.constant 8 : i32
        %lt3A_98 = vector.broadcast %lt3A_97 : i32 to vector<16xi32>
        %lt3A_99 = arith.cmpi slt, %iota3A, %lt3A_98 : vector<16xi32>
        %select_n3A_100 = arith.select %lt3A_99, %masked_sort3A_37, %gather3A_92 : vector<16xi1>, vector<16xi32>
        %masked_sort3A_101 = arith.constant dense<true> : vector<16xi1>
        %masked_sort3A_102, %masked_sort3A_103, %masked_sort3A_104 = tpu.sort %select_n3A_96, %select_n3A_100 masked %masked_sort3A_101 {descending = true} : (vector<16xf32>, vector<16xi32>, vector<16xi1>) -> (vector<16xi1>, vector<16xf32>, vector<16xi32>)
        %lt3A_105 = arith.constant 0 : i32
        %lt3A_106 = vector.broadcast %lt3A_105 : i32 to vector<16xi32>
        %lt3A_107 = arith.cmpi slt, %max3A_6, %lt3A_106 : vector<16xi32>
        %add3A_108 = arith.constant 16 : i32
        %add3A_109 = vector.broadcast %add3A_108 : i32 to vector<16xi32>
        %add3A_110 = arith.addi %max3A_6, %add3A_109 : vector<16xi32>
        %select_n3A_111 = arith.select %lt3A_107, %add3A_110, %max3A_6 : vector<16xi1>, vector<16xi32>
        %broadcast_in_dim3A_112 = vector.shape_cast %select_n3A_111 : vector<16xi32> to vector<16x1xi32>
        %gather3A_113 = vector.shape_cast %broadcast_in_dim3A_112 : vector<16x1xi32> to vector<16xi32>
        %gather3A_114 = tpu.dynamic_gather %masked_sort3A_75[%gather3A_113] in [0] : vector<16xf32>, vector<16xi32> -> vector<16xf32>
        %lt3A_115 = arith.constant 0 : i32
        %lt3A_116 = vector.broadcast %lt3A_115 : i32 to vector<16xi32>
        %lt3A_117 = arith.cmpi slt, %max3A_6, %lt3A_116 : vector<16xi32>
        %add3A_118 = arith.constant 16 : i32
        %add3A_119 = vector.broadcast %add3A_118 : i32 to vector<16xi32>
        %add3A_120 = arith.addi %max3A_6, %add3A_119 : vector<16xi32>
        %select_n3A_121 = arith.select %lt3A_117, %add3A_120, %max3A_6 : vector<16xi1>, vector<16xi32>
        %broadcast_in_dim3A_122 = vector.shape_cast %select_n3A_121 : vector<16xi32> to vector<16x1xi32>
        %gather3A_123 = vector.shape_cast %broadcast_in_dim3A_122 : vector<16x1xi32> to vector<16xi32>
        %gather3A_124 = tpu.dynamic_gather %masked_sort3A_76[%gather3A_123] in [0] : vector<16xi32>, vector<16xi32> -> vector<16xi32>
        %lt3A_125 = arith.constant 8 : i32
        %lt3A_126 = vector.broadcast %lt3A_125 : i32 to vector<16xi32>
        %lt3A_127 = arith.cmpi slt, %iota3A, %lt3A_126 : vector<16xi32>
        %select_n3A_128 = arith.select %lt3A_127, %masked_sort3A_62, %gather3A_114 : vector<16xi1>, vector<16xf32>
        %lt3A_129 = arith.constant 8 : i32
        %lt3A_130 = vector.broadcast %lt3A_129 : i32 to vector<16xi32>
        %lt3A_131 = arith.cmpi slt, %iota3A, %lt3A_130 : vector<16xi32>
        %select_n3A_132 = arith.select %lt3A_131, %masked_sort3A_63, %gather3A_124 : vector<16xi1>, vector<16xi32>
        %masked_sort3A_133 = arith.constant dense<true> : vector<16xi1>
        %masked_sort3A_134, %masked_sort3A_135, %masked_sort3A_136 = tpu.sort %select_n3A_128, %select_n3A_132 masked %masked_sort3A_133 {descending = true} : (vector<16xf32>, vector<16xi32>, vector<16xi1>) -> (vector<16xi1>, vector<16xf32>, vector<16xi32>)
        %lt3A_137 = arith.constant 0 : i32
        %lt3A_138 = vector.broadcast %lt3A_137 : i32 to vector<16xi32>
        %lt3A_139 = arith.cmpi slt, %max3A_6, %lt3A_138 : vector<16xi32>
        %add3A_140 = arith.constant 16 : i32
        %add3A_141 = vector.broadcast %add3A_140 : i32 to vector<16xi32>
        %add3A_142 = arith.addi %max3A_6, %add3A_141 : vector<16xi32>
        %select_n3A_143 = arith.select %lt3A_139, %add3A_142, %max3A_6 : vector<16xi1>, vector<16xi32>
        %broadcast_in_dim3A_144 = vector.shape_cast %select_n3A_143 : vector<16xi32> to vector<16x1xi32>
        %gather3A_145 = vector.shape_cast %broadcast_in_dim3A_144 : vector<16x1xi32> to vector<16xi32>
        %gather3A_146 = tpu.dynamic_gather %masked_sort3A_135[%gather3A_145] in [0] : vector<16xf32>, vector<16xi32> -> vector<16xf32>
        %lt3A_147 = arith.constant 0 : i32
        %lt3A_148 = vector.broadcast %lt3A_147 : i32 to vector<16xi32>
        %lt3A_149 = arith.cmpi slt, %max3A_6, %lt3A_148 : vector<16xi32>
        %add3A_150 = arith.constant 16 : i32
        %add3A_151 = vector.broadcast %add3A_150 : i32 to vector<16xi32>
        %add3A_152 = arith.addi %max3A_6, %add3A_151 : vector<16xi32>
        %select_n3A_153 = arith.select %lt3A_149, %add3A_152, %max3A_6 : vector<16xi1>, vector<16xi32>
        %broadcast_in_dim3A_154 = vector.shape_cast %select_n3A_153 : vector<16xi32> to vector<16x1xi32>
        %gather3A_155 = vector.shape_cast %broadcast_in_dim3A_154 : vector<16x1xi32> to vector<16xi32>
        %gather3A_156 = tpu.dynamic_gather %masked_sort3A_136[%gather3A_155] in [0] : vector<16xi32>, vector<16xi32> -> vector<16xi32>
        %lt3A_157 = arith.constant 8 : i32
        %lt3A_158 = vector.broadcast %lt3A_157 : i32 to vector<16xi32>
        %lt3A_159 = arith.cmpi slt, %iota3A, %lt3A_158 : vector<16xi32>
        %select_n3A_160 = arith.select %lt3A_159, %masked_sort3A_103, %gather3A_146 : vector<16xi1>, vector<16xf32>
        %lt3A_161 = arith.constant 8 : i32
        %lt3A_162 = vector.broadcast %lt3A_161 : i32 to vector<16xi32>
        %lt3A_163 = arith.cmpi slt, %iota3A, %lt3A_162 : vector<16xi32>
        %select_n3A_164 = arith.select %lt3A_163, %masked_sort3A_104, %gather3A_156 : vector<16xi1>, vector<16xi32>
        %masked_sort3A_165 = arith.constant dense<true> : vector<16xi1>
        %masked_sort3A_166, %masked_sort3A_167, %masked_sort3A_168 = tpu.sort %select_n3A_160, %select_n3A_164 masked %masked_sort3A_165 {descending = true} : (vector<16xf32>, vector<16xi32>, vector<16xi1>) -> (vector<16xi1>, vector<16xf32>, vector<16xi32>)
        %reduce_max3A = arith.constant true
        %reduce_max3A_169 = vector.broadcast %reduce_max3A : i1 to vector<16xi1>
        %reduce_max3A_170 = tpu.scan <max>, %masked_sort3A_167 masked %reduce_max3A_169 : vector<16xf32>, vector<16xi1> -> vector<16xf32>
        %reduce_max3A_171 = vector.extract %reduce_max3A_170[15] : f32 from vector<16xf32>
        %sub3A_172 = vector.broadcast %reduce_max3A_171 : f32 to vector<16xf32>
        %sub3A_173 = arith.subf %masked_sort3A_167, %sub3A_172 : vector<16xf32>
        %exp3A = math.exp %sub3A_173 : vector<16xf32>
        %lt3A_174 = arith.constant 8 : i32
        %lt3A_175 = vector.broadcast %lt3A_174 : i32 to vector<16xi32>
        %lt3A_176 = arith.cmpi slt, %iota3A, %lt3A_175 : vector<16xi32>
        %jit3A = arith.constant 0.000000e+00 : f32
        %broadcast_in_dim3A_177 = vector.broadcast %jit3A : f32 to vector<16xf32>
        %select_n3A_178 = arith.select %lt3A_176, %exp3A, %broadcast_in_dim3A_177 : vector<16xi1>, vector<16xf32>
        %reduce_sum3A = arith.constant true
        %reduce_sum3A_179 = vector.broadcast %reduce_sum3A : i1 to vector<16xi1>
        %reduce_sum3A_180 = tpu.scan <sum>, %select_n3A_178 masked %reduce_sum3A_179 : vector<16xf32>, vector<16xi1> -> vector<16xf32>
        %reduce_sum3A_181 = vector.extract %reduce_sum3A_180[15] : f32 from vector<16xf32>
        %broadcast_in_dim3A_182 = vector.broadcast %reduce_sum3A_181 : f32 to vector<16xf32>
        %div3A = arith.divf %exp3A, %broadcast_in_dim3A_182 : vector<16xf32>
        %mul3A_183 = arith.constant 16 : i32
        %mul3A_184 = arith.muli %scan3A_26, %mul3A_183 : i32
        %swap3A = arith.index_cast %mul3A_184 : i32 to index
        %swap3A_185 = tpu.vector_load %arg6[%swap3A] {strides = array<i32>} : memref<8192xi32, #tpu.memory_space<vmem>>, vector<16xi32>,
        tpu.vector_store %arg6[%swap3A], %masked_sort3A_168 {strides = array<i32>} : memref<8192xi32, #tpu.memory_space<vmem>>, vector<16xi32>,
        %mul3A_186 = arith.constant 16 : i32
        %mul3A_187 = arith.muli %scan3A_26, %mul3A_186 : i32
        %swap3A_188 = arith.index_cast %mul3A_187 : i32 to index
        %swap3A_189 = tpu.vector_load %arg7[%swap3A_188] {strides = array<i32>} : memref<8192xf32, #tpu.memory_space<vmem>>, vector<16xf32>,
        tpu.vector_store %arg7[%swap3A_188], %div3A {strides = array<i32>} : memref<8192xf32, #tpu.memory_space<vmem>>, vector<16xf32>,
        %scan3A_190 = arith.constant 1 : i32
        %scan3A_191 = arith.addi %scan3A_26, %scan3A_190 : i32
        %add3A_192 = arith.constant 0 : i32
        %add3A_193 = vector.broadcast %add3A_192 : i32 to vector<16xi32>
        %add3A_194 = arith.addi %iota3A, %add3A_193 : vector<16xi32>
        %mul3A_195 = arith.constant 64 : i32
        %mul3A_196 = arith.muli %scan3A_191, %mul3A_195 : i32
        %add3A_197 = arith.constant 0 : i32
        %add3A_198 = arith.addi %mul3A_196, %add3A_197 : i32
        %get3A_199 = arith.index_cast %add3A_198 : i32 to index
        %get3A_200 = tpu.vector_load %arg5[%get3A_199] {strides = array<i32>} : memref<32768xf32, #tpu.memory_space<vmem>>, vector<16xf32>,
        %masked_sort3A_201 = arith.constant dense<true> : vector<16xi1>
        %masked_sort3A_202, %masked_sort3A_203, %masked_sort3A_204 = tpu.sort %get3A_200, %add3A_194 masked %masked_sort3A_201 {descending = true} : (vector<16xf32>, vector<16xi32>, vector<16xi1>) -> (vector<16xi1>, vector<16xf32>, vector<16xi32>)
        %add3A_205 = arith.constant 16 : i32
        %add3A_206 = vector.broadcast %add3A_205 : i32 to vector<16xi32>
        %add3A_207 = arith.addi %iota3A, %add3A_206 : vector<16xi32>
        %mul3A_208 = arith.constant 64 : i32
        %mul3A_209 = arith.muli %scan3A_191, %mul3A_208 : i32
        %add3A_210 = arith.constant 16 : i32
        %add3A_211 = arith.addi %mul3A_209, %add3A_210 : i32
        %get3A_212 = arith.index_cast %add3A_211 : i32 to index
        %get3A_213 = tpu.vector_load %arg5[%get3A_212] {strides = array<i32>} : memref<32768xf32, #tpu.memory_space<vmem>>, vector<16xf32>,
        %masked_sort3A_214 = arith.constant dense<true> : vector<16xi1>
        %masked_sort3A_215, %masked_sort3A_216, %masked_sort3A_217 = tpu.sort %get3A_213, %add3A_207 masked %masked_sort3A_214 {descending = true} : (vector<16xf32>, vector<16xi32>, vector<16xi1>) -> (vector<16xi1>, vector<16xf32>, vector<16xi32>)
        %add3A_218 = arith.constant 32 : i32
        %add3A_219 = vector.broadcast %add3A_218 : i32 to vector<16xi32>
        %add3A_220 = arith.addi %iota3A, %add3A_219 : vector<16xi32>
        %mul3A_221 = arith.constant 64 : i32
        %mul3A_222 = arith.muli %scan3A_191, %mul3A_221 : i32
        %add3A_223 = arith.constant 32 : i32
        %add3A_224 = arith.addi %mul3A_222, %add3A_223 : i32
        %get3A_225 = arith.index_cast %add3A_224 : i32 to index
        %get3A_226 = tpu.vector_load %arg5[%get3A_225] {strides = array<i32>} : memref<32768xf32, #tpu.memory_space<vmem>>, vector<16xf32>,
        %masked_sort3A_227 = arith.constant dense<true> : vector<16xi1>
        %masked_sort3A_228, %masked_sort3A_229, %masked_sort3A_230 = tpu.sort %get3A_226, %add3A_220 masked %masked_sort3A_227 {descending = true} : (vector<16xf32>, vector<16xi32>, vector<16xi1>) -> (vector<16xi1>, vector<16xf32>, vector<16xi32>)
        %add3A_231 = arith.constant 48 : i32
        %add3A_232 = vector.broadcast %add3A_231 : i32 to vector<16xi32>
        %add3A_233 = arith.addi %iota3A, %add3A_232 : vector<16xi32>
        %mul3A_234 = arith.constant 64 : i32
        %mul3A_235 = arith.muli %scan3A_191, %mul3A_234 : i32
        %add3A_236 = arith.constant 48 : i32
        %add3A_237 = arith.addi %mul3A_235, %add3A_236 : i32
        %get3A_238 = arith.index_cast %add3A_237 : i32 to index
        %get3A_239 = tpu.vector_load %arg5[%get3A_238] {strides = array<i32>} : memref<32768xf32, #tpu.memory_space<vmem>>, vector<16xf32>,
        %masked_sort3A_240 = arith.constant dense<true> : vector<16xi1>
        %masked_sort3A_241, %masked_sort3A_242, %masked_sort3A_243 = tpu.sort %get3A_239, %add3A_233 masked %masked_sort3A_240 {descending = true} : (vector<16xf32>, vector<16xi32>, vector<16xi1>) -> (vector<16xi1>, vector<16xf32>, vector<16xi32>)
        %lt3A_244 = arith.constant 0 : i32
        %lt3A_245 = vector.broadcast %lt3A_244 : i32 to vector<16xi32>
        %lt3A_246 = arith.cmpi slt, %max3A_6, %lt3A_245 : vector<16xi32>
        %add3A_247 = arith.constant 16 : i32
        %add3A_248 = vector.broadcast %add3A_247 : i32 to vector<16xi32>
        %add3A_249 = arith.addi %max3A_6, %add3A_248 : vector<16xi32>
        %select_n3A_250 = arith.select %lt3A_246, %add3A_249, %max3A_6 : vector<16xi1>, vector<16xi32>
        %broadcast_in_dim3A_251 = vector.shape_cast %select_n3A_250 : vector<16xi32> to vector<16x1xi32>
        %gather3A_252 = vector.shape_cast %broadcast_in_dim3A_251 : vector<16x1xi32> to vector<16xi32>
        %gather3A_253 = tpu.dynamic_gather %masked_sort3A_216[%gather3A_252] in [0] : vector<16xf32>, vector<16xi32> -> vector<16xf32>
        %lt3A_254 = arith.constant 0 : i32
        %lt3A_255 = vector.broadcast %lt3A_254 : i32 to vector<16xi32>
        %lt3A_256 = arith.cmpi slt, %max3A_6, %lt3A_255 : vector<16xi32>
        %add3A_257 = arith.constant 16 : i32
        %add3A_258 = vector.broadcast %add3A_257 : i32 to vector<16xi32>
        %add3A_259 = arith.addi %max3A_6, %add3A_258 : vector<16xi32>
        %select_n3A_260 = arith.select %lt3A_256, %add3A_259, %max3A_6 : vector<16xi1>, vector<16xi32>
        %broadcast_in_dim3A_261 = vector.shape_cast %select_n3A_260 : vector<16xi32> to vector<16x1xi32>
        %gather3A_262 = vector.shape_cast %broadcast_in_dim3A_261 : vector<16x1xi32> to vector<16xi32>
        %gather3A_263 = tpu.dynamic_gather %masked_sort3A_217[%gather3A_262] in [0] : vector<16xi32>, vector<16xi32> -> vector<16xi32>
        %lt3A_264 = arith.constant 8 : i32
        %lt3A_265 = vector.broadcast %lt3A_264 : i32 to vector<16xi32>
        %lt3A_266 = arith.cmpi slt, %iota3A, %lt3A_265 : vector<16xi32>
        %select_n3A_267 = arith.select %lt3A_266, %masked_sort3A_203, %gather3A_253 : vector<16xi1>, vector<16xf32>
        %lt3A_268 = arith.constant 8 : i32
        %lt3A_269 = vector.broadcast %lt3A_268 : i32 to vector<16xi32>
        %lt3A_270 = arith.cmpi slt, %iota3A, %lt3A_269 : vector<16xi32>
        %select_n3A_271 = arith.select %lt3A_270, %masked_sort3A_204, %gather3A_263 : vector<16xi1>, vector<16xi32>
        %masked_sort3A_272 = arith.constant dense<true> : vector<16xi1>
        %masked_sort3A_273, %masked_sort3A_274, %masked_sort3A_275 = tpu.sort %select_n3A_267, %select_n3A_271 masked %masked_sort3A_272 {descending = true} : (vector<16xf32>, vector<16xi32>, vector<16xi1>) -> (vector<16xi1>, vector<16xf32>, vector<16xi32>)
        %lt3A_276 = arith.constant 0 : i32
        %lt3A_277 = vector.broadcast %lt3A_276 : i32 to vector<16xi32>
        %lt3A_278 = arith.cmpi slt, %max3A_6, %lt3A_277 : vector<16xi32>
        %add3A_279 = arith.constant 16 : i32
        %add3A_280 = vector.broadcast %add3A_279 : i32 to vector<16xi32>
        %add3A_281 = arith.addi %max3A_6, %add3A_280 : vector<16xi32>
        %select_n3A_282 = arith.select %lt3A_278, %add3A_281, %max3A_6 : vector<16xi1>, vector<16xi32>
        %broadcast_in_dim3A_283 = vector.shape_cast %select_n3A_282 : vector<16xi32> to vector<16x1xi32>
        %gather3A_284 = vector.shape_cast %broadcast_in_dim3A_283 : vector<16x1xi32> to vector<16xi32>
        %gather3A_285 = tpu.dynamic_gather %masked_sort3A_242[%gather3A_284] in [0] : vector<16xf32>, vector<16xi32> -> vector<16xf32>
        %lt3A_286 = arith.constant 0 : i32
        %lt3A_287 = vector.broadcast %lt3A_286 : i32 to vector<16xi32>
        %lt3A_288 = arith.cmpi slt, %max3A_6, %lt3A_287 : vector<16xi32>
        %add3A_289 = arith.constant 16 : i32
        %add3A_290 = vector.broadcast %add3A_289 : i32 to vector<16xi32>
        %add3A_291 = arith.addi %max3A_6, %add3A_290 : vector<16xi32>
        %select_n3A_292 = arith.select %lt3A_288, %add3A_291, %max3A_6 : vector<16xi1>, vector<16xi32>
        %broadcast_in_dim3A_293 = vector.shape_cast %select_n3A_292 : vector<16xi32> to vector<16x1xi32>
        %gather3A_294 = vector.shape_cast %broadcast_in_dim3A_293 : vector<16x1xi32> to vector<16xi32>
        %gather3A_295 = tpu.dynamic_gather %masked_sort3A_243[%gather3A_294] in [0] : vector<16xi32>, vector<16xi32> -> vector<16xi32>
        %lt3A_296 = arith.constant 8 : i32
        %lt3A_297 = vector.broadcast %lt3A_296 : i32 to vector<16xi32>
        %lt3A_298 = arith.cmpi slt, %iota3A, %lt3A_297 : vector<16xi32>
        %select_n3A_299 = arith.select %lt3A_298, %masked_sort3A_229, %gather3A_285 : vector<16xi1>, vector<16xf32>
        %lt3A_300 = arith.constant 8 : i32
        %lt3A_301 = vector.broadcast %lt3A_300 : i32 to vector<16xi32>
        %lt3A_302 = arith.cmpi slt, %iota3A, %lt3A_301 : vector<16xi32>
        %select_n3A_303 = arith.select %lt3A_302, %masked_sort3A_230, %gather3A_295 : vector<16xi1>, vector<16xi32>
        %masked_sort3A_304 = arith.constant dense<true> : vector<16xi1>
        %masked_sort3A_305, %masked_sort3A_306, %masked_sort3A_307 = tpu.sort %select_n3A_299, %select_n3A_303 masked %masked_sort3A_304 {descending = true} : (vector<16xf32>, vector<16xi32>, vector<16xi1>) -> (vector<16xi1>, vector<16xf32>, vector<16xi32>)
        %lt3A_308 = arith.constant 0 : i32
        %lt3A_309 = vector.broadcast %lt3A_308 : i32 to vector<16xi32>
        %lt3A_310 = arith.cmpi slt, %max3A_6, %lt3A_309 : vector<16xi32>
        %add3A_311 = arith.constant 16 : i32
        %add3A_312 = vector.broadcast %add3A_311 : i32 to vector<16xi32>
        %add3A_313 = arith.addi %max3A_6, %add3A_312 : vector<16xi32>
        %select_n3A_314 = arith.select %lt3A_310, %add3A_313, %max3A_6 : vector<16xi1>, vector<16xi32>
        %broadcast_in_dim3A_315 = vector.shape_cast %select_n3A_314 : vector<16xi32> to vector<16x1xi32>
        %gather3A_316 = vector.shape_cast %broadcast_in_dim3A_315 : vector<16x1xi32> to vector<16xi32>
        %gather3A_317 = tpu.dynamic_gather %masked_sort3A_306[%gather3A_316] in [0] : vector<16xf32>, vector<16xi32> -> vector<16xf32>
        %lt3A_318 = arith.constant 0 : i32
        %lt3A_319 = vector.broadcast %lt3A_318 : i32 to vector<16xi32>
        %lt3A_320 = arith.cmpi slt, %max3A_6, %lt3A_319 : vector<16xi32>
        %add3A_321 = arith.constant 16 : i32
        %add3A_322 = vector.broadcast %add3A_321 : i32 to vector<16xi32>
        %add3A_323 = arith.addi %max3A_6, %add3A_322 : vector<16xi32>
        %select_n3A_324 = arith.select %lt3A_320, %add3A_323, %max3A_6 : vector<16xi1>, vector<16xi32>
        %broadcast_in_dim3A_325 = vector.shape_cast %select_n3A_324 : vector<16xi32> to vector<16x1xi32>
        %gather3A_326 = vector.shape_cast %broadcast_in_dim3A_325 : vector<16x1xi32> to vector<16xi32>
        %gather3A_327 = tpu.dynamic_gather %masked_sort3A_307[%gather3A_326] in [0] : vector<16xi32>, vector<16xi32> -> vector<16xi32>
        %lt3A_328 = arith.constant 8 : i32
        %lt3A_329 = vector.broadcast %lt3A_328 : i32 to vector<16xi32>
        %lt3A_330 = arith.cmpi slt, %iota3A, %lt3A_329 : vector<16xi32>
        %select_n3A_331 = arith.select %lt3A_330, %masked_sort3A_274, %gather3A_317 : vector<16xi1>, vector<16xf32>
        %lt3A_332 = arith.constant 8 : i32
        %lt3A_333 = vector.broadcast %lt3A_332 : i32 to vector<16xi32>
        %lt3A_334 = arith.cmpi slt, %iota3A, %lt3A_333 : vector<16xi32>
        %select_n3A_335 = arith.select %lt3A_334, %masked_sort3A_275, %gather3A_327 : vector<16xi1>, vector<16xi32>
        %masked_sort3A_336 = arith.constant dense<true> : vector<16xi1>
        %masked_sort3A_337, %masked_sort3A_338, %masked_sort3A_339 = tpu.sort %select_n3A_331, %select_n3A_335 masked %masked_sort3A_336 {descending = true} : (vector<16xf32>, vector<16xi32>, vector<16xi1>) -> (vector<16xi1>, vector<16xf32>, vector<16xi32>)
        %reduce_max3A_340 = arith.constant true
        %reduce_max3A_341 = vector.broadcast %reduce_max3A_340 : i1 to vector<16xi1>
        %reduce_max3A_342 = tpu.scan <max>, %masked_sort3A_338 masked %reduce_max3A_341 : vector<16xf32>, vector<16xi1> -> vector<16xf32>
        %reduce_max3A_343 = vector.extract %reduce_max3A_342[15] : f32 from vector<16xf32>
        %sub3A_344 = vector.broadcast %reduce_max3A_343 : f32 to vector<16xf32>
        %sub3A_345 = arith.subf %masked_sort3A_338, %sub3A_344 : vector<16xf32>
        %exp3A_346 = math.exp %sub3A_345 : vector<16xf32>
        %lt3A_347 = arith.constant 8 : i32
        %lt3A_348 = vector.broadcast %lt3A_347 : i32 to vector<16xi32>
        %lt3A_349 = arith.cmpi slt, %iota3A, %lt3A_348 : vector<16xi32>
        %jit3A_350 = arith.constant 0.000000e+00 : f32
        %broadcast_in_dim3A_351 = vector.broadcast %jit3A_350 : f32 to vector<16xf32>
        %select_n3A_352 = arith.select %lt3A_349, %exp3A_346, %broadcast_in_dim3A_351 : vector<16xi1>, vector<16xf32>
        %reduce_sum3A_353 = arith.constant true
        %reduce_sum3A_354 = vector.broadcast %reduce_sum3A_353 : i1 to vector<16xi1>
        %reduce_sum3A_355 = tpu.scan <sum>, %select_n3A_352 masked %reduce_sum3A_354 : vector<16xf32>, vector<16xi1> -> vector<16xf32>
        %reduce_sum3A_356 = vector.extract %reduce_sum3A_355[15] : f32 from vector<16xf32>
        %broadcast_in_dim3A_357 = vector.broadcast %reduce_sum3A_356 : f32 to vector<16xf32>
        %div3A_358 = arith.divf %exp3A_346, %broadcast_in_dim3A_357 : vector<16xf32>
        %mul3A_359 = arith.constant 16 : i32
        %mul3A_360 = arith.muli %scan3A_191, %mul3A_359 : i32
        %swap3A_361 = arith.index_cast %mul3A_360 : i32 to index
        %swap3A_362 = tpu.vector_load %arg6[%swap3A_361] {strides = array<i32>} : memref<8192xi32, #tpu.memory_space<vmem>>, vector<16xi32>,
        tpu.vector_store %arg6[%swap3A_361], %masked_sort3A_339 {strides = array<i32>} : memref<8192xi32, #tpu.memory_space<vmem>>, vector<16xi32>,
        %mul3A_363 = arith.constant 16 : i32
        %mul3A_364 = arith.muli %scan3A_191, %mul3A_363 : i32
        %swap3A_365 = arith.index_cast %mul3A_364 : i32 to index
        %swap3A_366 = tpu.vector_load %arg7[%swap3A_365] {strides = array<i32>} : memref<8192xf32, #tpu.memory_space<vmem>>, vector<16xf32>,
        tpu.vector_store %arg7[%swap3A_365], %div3A_358 {strides = array<i32>} : memref<8192xf32, #tpu.memory_space<vmem>>, vector<16xf32>,
        %scan3A_367 = arith.constant 2 : i32
        %scan3A_368 = arith.addi %scan3A_26, %scan3A_367 : i32
        %add3A_369 = arith.constant 0 : i32
        %add3A_370 = vector.broadcast %add3A_369 : i32 to vector<16xi32>
        %add3A_371 = arith.addi %iota3A, %add3A_370 : vector<16xi32>
        %mul3A_372 = arith.constant 64 : i32
        %mul3A_373 = arith.muli %scan3A_368, %mul3A_372 : i32
        %add3A_374 = arith.constant 0 : i32
        %add3A_375 = arith.addi %mul3A_373, %add3A_374 : i32
        %get3A_376 = arith.index_cast %add3A_375 : i32 to index
        %get3A_377 = tpu.vector_load %arg5[%get3A_376] {strides = array<i32>} : memref<32768xf32, #tpu.memory_space<vmem>>, vector<16xf32>,
        %masked_sort3A_378 = arith.constant dense<true> : vector<16xi1>
        %masked_sort3A_379, %masked_sort3A_380, %masked_sort3A_381 = tpu.sort %get3A_377, %add3A_371 masked %masked_sort3A_378 {descending = true} : (vector<16xf32>, vector<16xi32>, vector<16xi1>) -> (vector<16xi1>, vector<16xf32>, vector<16xi32>)
        %add3A_382 = arith.constant 16 : i32
        %add3A_383 = vector.broadcast %add3A_382 : i32 to vector<16xi32>
        %add3A_384 = arith.addi %iota3A, %add3A_383 : vector<16xi32>
        %mul3A_385 = arith.constant 64 : i32
        %mul3A_386 = arith.muli %scan3A_368, %mul3A_385 : i32
        %add3A_387 = arith.constant 16 : i32
        %add3A_388 = arith.addi %mul3A_386, %add3A_387 : i32
        %get3A_389 = arith.index_cast %add3A_388 : i32 to index
        %get3A_390 = tpu.vector_load %arg5[%get3A_389] {strides = array<i32>} : memref<32768xf32, #tpu.memory_space<vmem>>, vector<16xf32>,
        %masked_sort3A_391 = arith.constant dense<true> : vector<16xi1>
        %masked_sort3A_392, %masked_sort3A_393, %masked_sort3A_394 = tpu.sort %get3A_390, %add3A_384 masked %masked_sort3A_391 {descending = true} : (vector<16xf32>, vector<16xi32>, vector<16xi1>) -> (vector<16xi1>, vector<16xf32>, vector<16xi32>)
        %add3A_395 = arith.constant 32 : i32
        %add3A_396 = vector.broadcast %add3A_395 : i32 to vector<16xi32>
        %add3A_397 = arith.addi %iota3A, %add3A_396 : vector<16xi32>
        %mul3A_398 = arith.constant 64 : i32
        %mul3A_399 = arith.muli %scan3A_368, %mul3A_398 : i32
        %add3A_400 = arith.constant 32 : i32
        %add3A_401 = arith.addi %mul3A_399, %add3A_400 : i32
        %get3A_402 = arith.index_cast %add3A_401 : i32 to index
        %get3A_403 = tpu.vector_load %arg5[%get3A_402] {strides = array<i32>} : memref<32768xf32, #tpu.memory_space<vmem>>, vector<16xf32>,
        %masked_sort3A_404 = arith.constant dense<true> : vector<16xi1>
        %masked_sort3A_405, %masked_sort3A_406, %masked_sort3A_407 = tpu.sort %get3A_403, %add3A_397 masked %masked_sort3A_404 {descending = true} : (vector<16xf32>, vector<16xi32>, vector<16xi1>) -> (vector<16xi1>, vector<16xf32>, vector<16xi32>)
        %add3A_408 = arith.constant 48 : i32
        %add3A_409 = vector.broadcast %add3A_408 : i32 to vector<16xi32>
        %add3A_410 = arith.addi %iota3A, %add3A_409 : vector<16xi32>
        %mul3A_411 = arith.constant 64 : i32
        %mul3A_412 = arith.muli %scan3A_368, %mul3A_411 : i32
        %add3A_413 = arith.constant 48 : i32
        %add3A_414 = arith.addi %mul3A_412, %add3A_413 : i32
        %get3A_415 = arith.index_cast %add3A_414 : i32 to index
        %get3A_416 = tpu.vector_load %arg5[%get3A_415] {strides = array<i32>} : memref<32768xf32, #tpu.memory_space<vmem>>, vector<16xf32>,
        %masked_sort3A_417 = arith.constant dense<true> : vector<16xi1>
        %masked_sort3A_418, %masked_sort3A_419, %masked_sort3A_420 = tpu.sort %get3A_416, %add3A_410 masked %masked_sort3A_417 {descending = true} : (vector<16xf32>, vector<16xi32>, vector<16xi1>) -> (vector<16xi1>, vector<16xf32>, vector<16xi32>)
        %lt3A_421 = arith.constant 0 : i32
        %lt3A_422 = vector.broadcast %lt3A_421 : i32 to vector<16xi32>
        %lt3A_423 = arith.cmpi slt, %max3A_6, %lt3A_422 : vector<16xi32>
        %add3A_424 = arith.constant 16 : i32
        %add3A_425 = vector.broadcast %add3A_424 : i32 to vector<16xi32>
        %add3A_426 = arith.addi %max3A_6, %add3A_425 : vector<16xi32>
        %select_n3A_427 = arith.select %lt3A_423, %add3A_426, %max3A_6 : vector<16xi1>, vector<16xi32>
        %broadcast_in_dim3A_428 = vector.shape_cast %select_n3A_427 : vector<16xi32> to vector<16x1xi32>
        %gather3A_429 = vector.shape_cast %broadcast_in_dim3A_428 : vector<16x1xi32> to vector<16xi32>
        %gather3A_430 = tpu.dynamic_gather %masked_sort3A_393[%gather3A_429] in [0] : vector<16xf32>, vector<16xi32> -> vector<16xf32>
        %lt3A_431 = arith.constant 0 : i32
        %lt3A_432 = vector.broadcast %lt3A_431 : i32 to vector<16xi32>
        %lt3A_433 = arith.cmpi slt, %max3A_6, %lt3A_432 : vector<16xi32>
        %add3A_434 = arith.constant 16 : i32
        %add3A_435 = vector.broadcast %add3A_434 : i32 to vector<16xi32>
        %add3A_436 = arith.addi %max3A_6, %add3A_435 : vector<16xi32>
        %select_n3A_437 = arith.select %lt3A_433, %add3A_436, %max3A_6 : vector<16xi1>, vector<16xi32>
        %broadcast_in_dim3A_438 = vector.shape_cast %select_n3A_437 : vector<16xi32> to vector<16x1xi32>
        %gather3A_439 = vector.shape_cast %broadcast_in_dim3A_438 : vector<16x1xi32> to vector<16xi32>
        %gather3A_440 = tpu.dynamic_gather %masked_sort3A_394[%gather3A_439] in [0] : vector<16xi32>, vector<16xi32> -> vector<16xi32>
        %lt3A_441 = arith.constant 8 : i32
        %lt3A_442 = vector.broadcast %lt3A_441 : i32 to vector<16xi32>
        %lt3A_443 = arith.cmpi slt, %iota3A, %lt3A_442 : vector<16xi32>
        %select_n3A_444 = arith.select %lt3A_443, %masked_sort3A_380, %gather3A_430 : vector<16xi1>, vector<16xf32>
        %lt3A_445 = arith.constant 8 : i32
        %lt3A_446 = vector.broadcast %lt3A_445 : i32 to vector<16xi32>
        %lt3A_447 = arith.cmpi slt, %iota3A, %lt3A_446 : vector<16xi32>
        %select_n3A_448 = arith.select %lt3A_447, %masked_sort3A_381, %gather3A_440 : vector<16xi1>, vector<16xi32>
        %masked_sort3A_449 = arith.constant dense<true> : vector<16xi1>
        %masked_sort3A_450, %masked_sort3A_451, %masked_sort3A_452 = tpu.sort %select_n3A_444, %select_n3A_448 masked %masked_sort3A_449 {descending = true} : (vector<16xf32>, vector<16xi32>, vector<16xi1>) -> (vector<16xi1>, vector<16xf32>, vector<16xi32>)
        %lt3A_453 = arith.constant 0 : i32
        %lt3A_454 = vector.broadcast %lt3A_453 : i32 to vector<16xi32>
        %lt3A_455 = arith.cmpi slt, %max3A_6, %lt3A_454 : vector<16xi32>
        %add3A_456 = arith.constant 16 : i32
        %add3A_457 = vector.broadcast %add3A_456 : i32 to vector<16xi32>
        %add3A_458 = arith.addi %max3A_6, %add3A_457 : vector<16xi32>
        %select_n3A_459 = arith.select %lt3A_455, %add3A_458, %max3A_6 : vector<16xi1>, vector<16xi32>
        %broadcast_in_dim3A_460 = vector.shape_cast %select_n3A_459 : vector<16xi32> to vector<16x1xi32>
        %gather3A_461 = vector.shape_cast %broadcast_in_dim3A_460 : vector<16x1xi32> to vector<16xi32>
        %gather3A_462 = tpu.dynamic_gather %masked_sort3A_419[%gather3A_461] in [0] : vector<16xf32>, vector<16xi32> -> vector<16xf32>
        %lt3A_463 = arith.constant 0 : i32
        %lt3A_464 = vector.broadcast %lt3A_463 : i32 to vector<16xi32>
        %lt3A_465 = arith.cmpi slt, %max3A_6, %lt3A_464 : vector<16xi32>
        %add3A_466 = arith.constant 16 : i32
        %add3A_467 = vector.broadcast %add3A_466 : i32 to vector<16xi32>
        %add3A_468 = arith.addi %max3A_6, %add3A_467 : vector<16xi32>
        %select_n3A_469 = arith.select %lt3A_465, %add3A_468, %max3A_6 : vector<16xi1>, vector<16xi32>
        %broadcast_in_dim3A_470 = vector.shape_cast %select_n3A_469 : vector<16xi32> to vector<16x1xi32>
        %gather3A_471 = vector.shape_cast %broadcast_in_dim3A_470 : vector<16x1xi32> to vector<16xi32>
        %gather3A_472 = tpu.dynamic_gather %masked_sort3A_420[%gather3A_471] in [0] : vector<16xi32>, vector<16xi32> -> vector<16xi32>
        %lt3A_473 = arith.constant 8 : i32
        %lt3A_474 = vector.broadcast %lt3A_473 : i32 to vector<16xi32>
        %lt3A_475 = arith.cmpi slt, %iota3A, %lt3A_474 : vector<16xi32>
        %select_n3A_476 = arith.select %lt3A_475, %masked_sort3A_406, %gather3A_462 : vector<16xi1>, vector<16xf32>
        %lt3A_477 = arith.constant 8 : i32
        %lt3A_478 = vector.broadcast %lt3A_477 : i32 to vector<16xi32>
        %lt3A_479 = arith.cmpi slt, %iota3A, %lt3A_478 : vector<16xi32>
        %select_n3A_480 = arith.select %lt3A_479, %masked_sort3A_407, %gather3A_472 : vector<16xi1>, vector<16xi32>
        %masked_sort3A_481 = arith.constant dense<true> : vector<16xi1>
        %masked_sort3A_482, %masked_sort3A_483, %masked_sort3A_484 = tpu.sort %select_n3A_476, %select_n3A_480 masked %masked_sort3A_481 {descending = true} : (vector<16xf32>, vector<16xi32>, vector<16xi1>) -> (vector<16xi1>, vector<16xf32>, vector<16xi32>)
        %lt3A_485 = arith.constant 0 : i32
        %lt3A_486 = vector.broadcast %lt3A_485 : i32 to vector<16xi32>
        %lt3A_487 = arith.cmpi slt, %max3A_6, %lt3A_486 : vector<16xi32>
        %add3A_488 = arith.constant 16 : i32
        %add3A_489 = vector.broadcast %add3A_488 : i32 to vector<16xi32>
        %add3A_490 = arith.addi %max3A_6, %add3A_489 : vector<16xi32>
        %select_n3A_491 = arith.select %lt3A_487, %add3A_490, %max3A_6 : vector<16xi1>, vector<16xi32>
        %broadcast_in_dim3A_492 = vector.shape_cast %select_n3A_491 : vector<16xi32> to vector<16x1xi32>
        %gather3A_493 = vector.shape_cast %broadcast_in_dim3A_492 : vector<16x1xi32> to vector<16xi32>
        %gather3A_494 = tpu.dynamic_gather %masked_sort3A_483[%gather3A_493] in [0] : vector<16xf32>, vector<16xi32> -> vector<16xf32>
        %lt3A_495 = arith.constant 0 : i32
        %lt3A_496 = vector.broadcast %lt3A_495 : i32 to vector<16xi32>
        %lt3A_497 = arith.cmpi slt, %max3A_6, %lt3A_496 : vector<16xi32>
        %add3A_498 = arith.constant 16 : i32
        %add3A_499 = vector.broadcast %add3A_498 : i32 to vector<16xi32>
        %add3A_500 = arith.addi %max3A_6, %add3A_499 : vector<16xi32>
        %select_n3A_501 = arith.select %lt3A_497, %add3A_500, %max3A_6 : vector<16xi1>, vector<16xi32>
        %broadcast_in_dim3A_502 = vector.shape_cast %select_n3A_501 : vector<16xi32> to vector<16x1xi32>
        %gather3A_503 = vector.shape_cast %broadcast_in_dim3A_502 : vector<16x1xi32> to vector<16xi32>
        %gather3A_504 = tpu.dynamic_gather %masked_sort3A_484[%gather3A_503] in [0] : vector<16xi32>, vector<16xi32> -> vector<16xi32>
        %lt3A_505 = arith.constant 8 : i32
        %lt3A_506 = vector.broadcast %lt3A_505 : i32 to vector<16xi32>
        %lt3A_507 = arith.cmpi slt, %iota3A, %lt3A_506 : vector<16xi32>
        %select_n3A_508 = arith.select %lt3A_507, %masked_sort3A_451, %gather3A_494 : vector<16xi1>, vector<16xf32>
        %lt3A_509 = arith.constant 8 : i32
        %lt3A_510 = vector.broadcast %lt3A_509 : i32 to vector<16xi32>
        %lt3A_511 = arith.cmpi slt, %iota3A, %lt3A_510 : vector<16xi32>
        %select_n3A_512 = arith.select %lt3A_511, %masked_sort3A_452, %gather3A_504 : vector<16xi1>, vector<16xi32>
        %masked_sort3A_513 = arith.constant dense<true> : vector<16xi1>
        %masked_sort3A_514, %masked_sort3A_515, %masked_sort3A_516 = tpu.sort %select_n3A_508, %select_n3A_512 masked %masked_sort3A_513 {descending = true} : (vector<16xf32>, vector<16xi32>, vector<16xi1>) -> (vector<16xi1>, vector<16xf32>, vector<16xi32>)
        %reduce_max3A_517 = arith.constant true
        %reduce_max3A_518 = vector.broadcast %reduce_max3A_517 : i1 to vector<16xi1>
        %reduce_max3A_519 = tpu.scan <max>, %masked_sort3A_515 masked %reduce_max3A_518 : vector<16xf32>, vector<16xi1> -> vector<16xf32>
        %reduce_max3A_520 = vector.extract %reduce_max3A_519[15] : f32 from vector<16xf32>
        %sub3A_521 = vector.broadcast %reduce_max3A_520 : f32 to vector<16xf32>
        %sub3A_522 = arith.subf %masked_sort3A_515, %sub3A_521 : vector<16xf32>
        %exp3A_523 = math.exp %sub3A_522 : vector<16xf32>
        %lt3A_524 = arith.constant 8 : i32
        %lt3A_525 = vector.broadcast %lt3A_524 : i32 to vector<16xi32>
        %lt3A_526 = arith.cmpi slt, %iota3A, %lt3A_525 : vector<16xi32>
        %jit3A_527 = arith.constant 0.000000e+00 : f32
        %broadcast_in_dim3A_528 = vector.broadcast %jit3A_527 : f32 to vector<16xf32>
        %select_n3A_529 = arith.select %lt3A_526, %exp3A_523, %broadcast_in_dim3A_528 : vector<16xi1>, vector<16xf32>
        %reduce_sum3A_530 = arith.constant true
        %reduce_sum3A_531 = vector.broadcast %reduce_sum3A_530 : i1 to vector<16xi1>
        %reduce_sum3A_532 = tpu.scan <sum>, %select_n3A_529 masked %reduce_sum3A_531 : vector<16xf32>, vector<16xi1> -> vector<16xf32>
        %reduce_sum3A_533 = vector.extract %reduce_sum3A_532[15] : f32 from vector<16xf32>
        %broadcast_in_dim3A_534 = vector.broadcast %reduce_sum3A_533 : f32 to vector<16xf32>
        %div3A_535 = arith.divf %exp3A_523, %broadcast_in_dim3A_534 : vector<16xf32>
        %mul3A_536 = arith.constant 16 : i32
        %mul3A_537 = arith.muli %scan3A_368, %mul3A_536 : i32
        %swap3A_538 = arith.index_cast %mul3A_537 : i32 to index
        %swap3A_539 = tpu.vector_load %arg6[%swap3A_538] {strides = array<i32>} : memref<8192xi32, #tpu.memory_space<vmem>>, vector<16xi32>,
        tpu.vector_store %arg6[%swap3A_538], %masked_sort3A_516 {strides = array<i32>} : memref<8192xi32, #tpu.memory_space<vmem>>, vector<16xi32>,
        %mul3A_540 = arith.constant 16 : i32
        %mul3A_541 = arith.muli %scan3A_368, %mul3A_540 : i32
        %swap3A_542 = arith.index_cast %mul3A_541 : i32 to index
        %swap3A_543 = tpu.vector_load %arg7[%swap3A_542] {strides = array<i32>} : memref<8192xf32, #tpu.memory_space<vmem>>, vector<16xf32>,
        tpu.vector_store %arg7[%swap3A_542], %div3A_535 {strides = array<i32>} : memref<8192xf32, #tpu.memory_space<vmem>>, vector<16xf32>,
        %scan3A_544 = arith.constant 3 : i32
        %scan3A_545 = arith.addi %scan3A_26, %scan3A_544 : i32
        %add3A_546 = arith.constant 0 : i32
        %add3A_547 = vector.broadcast %add3A_546 : i32 to vector<16xi32>
        %add3A_548 = arith.addi %iota3A, %add3A_547 : vector<16xi32>
        %mul3A_549 = arith.constant 64 : i32
        %mul3A_550 = arith.muli %scan3A_545, %mul3A_549 : i32
        %add3A_551 = arith.constant 0 : i32
        %add3A_552 = arith.addi %mul3A_550, %add3A_551 : i32
        %get3A_553 = arith.index_cast %add3A_552 : i32 to index
        %get3A_554 = tpu.vector_load %arg5[%get3A_553] {strides = array<i32>} : memref<32768xf32, #tpu.memory_space<vmem>>, vector<16xf32>,
        %masked_sort3A_555 = arith.constant dense<true> : vector<16xi1>
        %masked_sort3A_556, %masked_sort3A_557, %masked_sort3A_558 = tpu.sort %get3A_554, %add3A_548 masked %masked_sort3A_555 {descending = true} : (vector<16xf32>, vector<16xi32>, vector<16xi1>) -> (vector<16xi1>, vector<16xf32>, vector<16xi32>)
        %add3A_559 = arith.constant 16 : i32
        %add3A_560 = vector.broadcast %add3A_559 : i32 to vector<16xi32>
        %add3A_561 = arith.addi %iota3A, %add3A_560 : vector<16xi32>
        %mul3A_562 = arith.constant 64 : i32
        %mul3A_563 = arith.muli %scan3A_545, %mul3A_562 : i32
        %add3A_564 = arith.constant 16 : i32
        %add3A_565 = arith.addi %mul3A_563, %add3A_564 : i32
        %get3A_566 = arith.index_cast %add3A_565 : i32 to index
        %get3A_567 = tpu.vector_load %arg5[%get3A_566] {strides = array<i32>} : memref<32768xf32, #tpu.memory_space<vmem>>, vector<16xf32>,
        %masked_sort3A_568 = arith.constant dense<true> : vector<16xi1>
        %masked_sort3A_569, %masked_sort3A_570, %masked_sort3A_571 = tpu.sort %get3A_567, %add3A_561 masked %masked_sort3A_568 {descending = true} : (vector<16xf32>, vector<16xi32>, vector<16xi1>) -> (vector<16xi1>, vector<16xf32>, vector<16xi32>)
        %add3A_572 = arith.constant 32 : i32
        %add3A_573 = vector.broadcast %add3A_572 : i32 to vector<16xi32>
        %add3A_574 = arith.addi %iota3A, %add3A_573 : vector<16xi32>
        %mul3A_575 = arith.constant 64 : i32
        %mul3A_576 = arith.muli %scan3A_545, %mul3A_575 : i32
        %add3A_577 = arith.constant 32 : i32
        %add3A_578 = arith.addi %mul3A_576, %add3A_577 : i32
        %get3A_579 = arith.index_cast %add3A_578 : i32 to index
        %get3A_580 = tpu.vector_load %arg5[%get3A_579] {strides = array<i32>} : memref<32768xf32, #tpu.memory_space<vmem>>, vector<16xf32>,
        %masked_sort3A_581 = arith.constant dense<true> : vector<16xi1>
        %masked_sort3A_582, %masked_sort3A_583, %masked_sort3A_584 = tpu.sort %get3A_580, %add3A_574 masked %masked_sort3A_581 {descending = true} : (vector<16xf32>, vector<16xi32>, vector<16xi1>) -> (vector<16xi1>, vector<16xf32>, vector<16xi32>)
        %add3A_585 = arith.constant 48 : i32
        %add3A_586 = vector.broadcast %add3A_585 : i32 to vector<16xi32>
        %add3A_587 = arith.addi %iota3A, %add3A_586 : vector<16xi32>
        %mul3A_588 = arith.constant 64 : i32
        %mul3A_589 = arith.muli %scan3A_545, %mul3A_588 : i32
        %add3A_590 = arith.constant 48 : i32
        %add3A_591 = arith.addi %mul3A_589, %add3A_590 : i32
        %get3A_592 = arith.index_cast %add3A_591 : i32 to index
        %get3A_593 = tpu.vector_load %arg5[%get3A_592] {strides = array<i32>} : memref<32768xf32, #tpu.memory_space<vmem>>, vector<16xf32>,
        %masked_sort3A_594 = arith.constant dense<true> : vector<16xi1>
        %masked_sort3A_595, %masked_sort3A_596, %masked_sort3A_597 = tpu.sort %get3A_593, %add3A_587 masked %masked_sort3A_594 {descending = true} : (vector<16xf32>, vector<16xi32>, vector<16xi1>) -> (vector<16xi1>, vector<16xf32>, vector<16xi32>)
        %lt3A_598 = arith.constant 0 : i32
        %lt3A_599 = vector.broadcast %lt3A_598 : i32 to vector<16xi32>
        %lt3A_600 = arith.cmpi slt, %max3A_6, %lt3A_599 : vector<16xi32>
        %add3A_601 = arith.constant 16 : i32
        %add3A_602 = vector.broadcast %add3A_601 : i32 to vector<16xi32>
        %add3A_603 = arith.addi %max3A_6, %add3A_602 : vector<16xi32>
        %select_n3A_604 = arith.select %lt3A_600, %add3A_603, %max3A_6 : vector<16xi1>, vector<16xi32>
        %broadcast_in_dim3A_605 = vector.shape_cast %select_n3A_604 : vector<16xi32> to vector<16x1xi32>
        %gather3A_606 = vector.shape_cast %broadcast_in_dim3A_605 : vector<16x1xi32> to vector<16xi32>
        %gather3A_607 = tpu.dynamic_gather %masked_sort3A_570[%gather3A_606] in [0] : vector<16xf32>, vector<16xi32> -> vector<16xf32>
        %lt3A_608 = arith.constant 0 : i32
        %lt3A_609 = vector.broadcast %lt3A_608 : i32 to vector<16xi32>
        %lt3A_610 = arith.cmpi slt, %max3A_6, %lt3A_609 : vector<16xi32>
        %add3A_611 = arith.constant 16 : i32
        %add3A_612 = vector.broadcast %add3A_611 : i32 to vector<16xi32>
        %add3A_613 = arith.addi %max3A_6, %add3A_612 : vector<16xi32>
        %select_n3A_614 = arith.select %lt3A_610, %add3A_613, %max3A_6 : vector<16xi1>, vector<16xi32>
        %broadcast_in_dim3A_615 = vector.shape_cast %select_n3A_614 : vector<16xi32> to vector<16x1xi32>
        %gather3A_616 = vector.shape_cast %broadcast_in_dim3A_615 : vector<16x1xi32> to vector<16xi32>
        %gather3A_617 = tpu.dynamic_gather %masked_sort3A_571[%gather3A_616] in [0] : vector<16xi32>, vector<16xi32> -> vector<16xi32>
        %lt3A_618 = arith.constant 8 : i32
        %lt3A_619 = vector.broadcast %lt3A_618 : i32 to vector<16xi32>
        %lt3A_620 = arith.cmpi slt, %iota3A, %lt3A_619 : vector<16xi32>
        %select_n3A_621 = arith.select %lt3A_620, %masked_sort3A_557, %gather3A_607 : vector<16xi1>, vector<16xf32>
        %lt3A_622 = arith.constant 8 : i32
        %lt3A_623 = vector.broadcast %lt3A_622 : i32 to vector<16xi32>
        %lt3A_624 = arith.cmpi slt, %iota3A, %lt3A_623 : vector<16xi32>
        %select_n3A_625 = arith.select %lt3A_624, %masked_sort3A_558, %gather3A_617 : vector<16xi1>, vector<16xi32>
        %masked_sort3A_626 = arith.constant dense<true> : vector<16xi1>
        %masked_sort3A_627, %masked_sort3A_628, %masked_sort3A_629 = tpu.sort %select_n3A_621, %select_n3A_625 masked %masked_sort3A_626 {descending = true} : (vector<16xf32>, vector<16xi32>, vector<16xi1>) -> (vector<16xi1>, vector<16xf32>, vector<16xi32>)
        %lt3A_630 = arith.constant 0 : i32
        %lt3A_631 = vector.broadcast %lt3A_630 : i32 to vector<16xi32>
        %lt3A_632 = arith.cmpi slt, %max3A_6, %lt3A_631 : vector<16xi32>
        %add3A_633 = arith.constant 16 : i32
        %add3A_634 = vector.broadcast %add3A_633 : i32 to vector<16xi32>
        %add3A_635 = arith.addi %max3A_6, %add3A_634 : vector<16xi32>
        %select_n3A_636 = arith.select %lt3A_632, %add3A_635, %max3A_6 : vector<16xi1>, vector<16xi32>
        %broadcast_in_dim3A_637 = vector.shape_cast %select_n3A_636 : vector<16xi32> to vector<16x1xi32>
        %gather3A_638 = vector.shape_cast %broadcast_in_dim3A_637 : vector<16x1xi32> to vector<16xi32>
        %gather3A_639 = tpu.dynamic_gather %masked_sort3A_596[%gather3A_638] in [0] : vector<16xf32>, vector<16xi32> -> vector<16xf32>
        %lt3A_640 = arith.constant 0 : i32
        %lt3A_641 = vector.broadcast %lt3A_640 : i32 to vector<16xi32>
        %lt3A_642 = arith.cmpi slt, %max3A_6, %lt3A_641 : vector<16xi32>
        %add3A_643 = arith.constant 16 : i32
        %add3A_644 = vector.broadcast %add3A_643 : i32 to vector<16xi32>
        %add3A_645 = arith.addi %max3A_6, %add3A_644 : vector<16xi32>
        %select_n3A_646 = arith.select %lt3A_642, %add3A_645, %max3A_6 : vector<16xi1>, vector<16xi32>
        %broadcast_in_dim3A_647 = vector.shape_cast %select_n3A_646 : vector<16xi32> to vector<16x1xi32>
        %gather3A_648 = vector.shape_cast %broadcast_in_dim3A_647 : vector<16x1xi32> to vector<16xi32>
        %gather3A_649 = tpu.dynamic_gather %masked_sort3A_597[%gather3A_648] in [0] : vector<16xi32>, vector<16xi32> -> vector<16xi32>
        %lt3A_650 = arith.constant 8 : i32
        %lt3A_651 = vector.broadcast %lt3A_650 : i32 to vector<16xi32>
        %lt3A_652 = arith.cmpi slt, %iota3A, %lt3A_651 : vector<16xi32>
        %select_n3A_653 = arith.select %lt3A_652, %masked_sort3A_583, %gather3A_639 : vector<16xi1>, vector<16xf32>
        %lt3A_654 = arith.constant 8 : i32
        %lt3A_655 = vector.broadcast %lt3A_654 : i32 to vector<16xi32>
        %lt3A_656 = arith.cmpi slt, %iota3A, %lt3A_655 : vector<16xi32>
        %select_n3A_657 = arith.select %lt3A_656, %masked_sort3A_584, %gather3A_649 : vector<16xi1>, vector<16xi32>
        %masked_sort3A_658 = arith.constant dense<true> : vector<16xi1>
        %masked_sort3A_659, %masked_sort3A_660, %masked_sort3A_661 = tpu.sort %select_n3A_653, %select_n3A_657 masked %masked_sort3A_658 {descending = true} : (vector<16xf32>, vector<16xi32>, vector<16xi1>) -> (vector<16xi1>, vector<16xf32>, vector<16xi32>)
        %lt3A_662 = arith.constant 0 : i32
        %lt3A_663 = vector.broadcast %lt3A_662 : i32 to vector<16xi32>
        %lt3A_664 = arith.cmpi slt, %max3A_6, %lt3A_663 : vector<16xi32>
        %add3A_665 = arith.constant 16 : i32
        %add3A_666 = vector.broadcast %add3A_665 : i32 to vector<16xi32>
        %add3A_667 = arith.addi %max3A_6, %add3A_666 : vector<16xi32>
        %select_n3A_668 = arith.select %lt3A_664, %add3A_667, %max3A_6 : vector<16xi1>, vector<16xi32>
        %broadcast_in_dim3A_669 = vector.shape_cast %select_n3A_668 : vector<16xi32> to vector<16x1xi32>
        %gather3A_670 = vector.shape_cast %broadcast_in_dim3A_669 : vector<16x1xi32> to vector<16xi32>
        %gather3A_671 = tpu.dynamic_gather %masked_sort3A_660[%gather3A_670] in [0] : vector<16xf32>, vector<16xi32> -> vector<16xf32>
        %lt3A_672 = arith.constant 0 : i32
        %lt3A_673 = vector.broadcast %lt3A_672 : i32 to vector<16xi32>
        %lt3A_674 = arith.cmpi slt, %max3A_6, %lt3A_673 : vector<16xi32>
        %add3A_675 = arith.constant 16 : i32
        %add3A_676 = vector.broadcast %add3A_675 : i32 to vector<16xi32>
        %add3A_677 = arith.addi %max3A_6, %add3A_676 : vector<16xi32>
        %select_n3A_678 = arith.select %lt3A_674, %add3A_677, %max3A_6 : vector<16xi1>, vector<16xi32>
        %broadcast_in_dim3A_679 = vector.shape_cast %select_n3A_678 : vector<16xi32> to vector<16x1xi32>
        %gather3A_680 = vector.shape_cast %broadcast_in_dim3A_679 : vector<16x1xi32> to vector<16xi32>
        %gather3A_681 = tpu.dynamic_gather %masked_sort3A_661[%gather3A_680] in [0] : vector<16xi32>, vector<16xi32> -> vector<16xi32>
        %lt3A_682 = arith.constant 8 : i32
        %lt3A_683 = vector.broadcast %lt3A_682 : i32 to vector<16xi32>
        %lt3A_684 = arith.cmpi slt, %iota3A, %lt3A_683 : vector<16xi32>
        %select_n3A_685 = arith.select %lt3A_684, %masked_sort3A_628, %gather3A_671 : vector<16xi1>, vector<16xf32>
        %lt3A_686 = arith.constant 8 : i32
        %lt3A_687 = vector.broadcast %lt3A_686 : i32 to vector<16xi32>
        %lt3A_688 = arith.cmpi slt, %iota3A, %lt3A_687 : vector<16xi32>
        %select_n3A_689 = arith.select %lt3A_688, %masked_sort3A_629, %gather3A_681 : vector<16xi1>, vector<16xi32>
        %masked_sort3A_690 = arith.constant dense<true> : vector<16xi1>
        %masked_sort3A_691, %masked_sort3A_692, %masked_sort3A_693 = tpu.sort %select_n3A_685, %select_n3A_689 masked %masked_sort3A_690 {descending = true} : (vector<16xf32>, vector<16xi32>, vector<16xi1>) -> (vector<16xi1>, vector<16xf32>, vector<16xi32>)
        %reduce_max3A_694 = arith.constant true
        %reduce_max3A_695 = vector.broadcast %reduce_max3A_694 : i1 to vector<16xi1>
        %reduce_max3A_696 = tpu.scan <max>, %masked_sort3A_692 masked %reduce_max3A_695 : vector<16xf32>, vector<16xi1> -> vector<16xf32>
        %reduce_max3A_697 = vector.extract %reduce_max3A_696[15] : f32 from vector<16xf32>
        %sub3A_698 = vector.broadcast %reduce_max3A_697 : f32 to vector<16xf32>
        %sub3A_699 = arith.subf %masked_sort3A_692, %sub3A_698 : vector<16xf32>
        %exp3A_700 = math.exp %sub3A_699 : vector<16xf32>
        %lt3A_701 = arith.constant 8 : i32
        %lt3A_702 = vector.broadcast %lt3A_701 : i32 to vector<16xi32>
        %lt3A_703 = arith.cmpi slt, %iota3A, %lt3A_702 : vector<16xi32>
        %jit3A_704 = arith.constant 0.000000e+00 : f32
        %broadcast_in_dim3A_705 = vector.broadcast %jit3A_704 : f32 to vector<16xf32>
        %select_n3A_706 = arith.select %lt3A_703, %exp3A_700, %broadcast_in_dim3A_705 : vector<16xi1>, vector<16xf32>
        %reduce_sum3A_707 = arith.constant true
        %reduce_sum3A_708 = vector.broadcast %reduce_sum3A_707 : i1 to vector<16xi1>
        %reduce_sum3A_709 = tpu.scan <sum>, %select_n3A_706 masked %reduce_sum3A_708 : vector<16xf32>, vector<16xi1> -> vector<16xf32>
        %reduce_sum3A_710 = vector.extract %reduce_sum3A_709[15] : f32 from vector<16xf32>
        %broadcast_in_dim3A_711 = vector.broadcast %reduce_sum3A_710 : f32 to vector<16xf32>
        %div3A_712 = arith.divf %exp3A_700, %broadcast_in_dim3A_711 : vector<16xf32>
        %mul3A_713 = arith.constant 16 : i32
        %mul3A_714 = arith.muli %scan3A_545, %mul3A_713 : i32
        %swap3A_715 = arith.index_cast %mul3A_714 : i32 to index
        %swap3A_716 = tpu.vector_load %arg6[%swap3A_715] {strides = array<i32>} : memref<8192xi32, #tpu.memory_space<vmem>>, vector<16xi32>,
        tpu.vector_store %arg6[%swap3A_715], %masked_sort3A_693 {strides = array<i32>} : memref<8192xi32, #tpu.memory_space<vmem>>, vector<16xi32>,
        %mul3A_717 = arith.constant 16 : i32
        %mul3A_718 = arith.muli %scan3A_545, %mul3A_717 : i32
        %swap3A_719 = arith.index_cast %mul3A_718 : i32 to index
        %swap3A_720 = tpu.vector_load %arg7[%swap3A_719] {strides = array<i32>} : memref<8192xf32, #tpu.memory_space<vmem>>, vector<16xf32>,
        tpu.vector_store %arg7[%swap3A_719], %div3A_712 {strides = array<i32>} : memref<8192xf32, #tpu.memory_space<vmem>>, vector<16xf32>,
      }
      %scan3A_21 = arith.constant 512 : i32
      %mul3A_22 = arith.constant 16 : i32
      %mul3A_23 = arith.muli %add3A_14, %mul3A_22 : i32
      "tpu.region"() ({
        %run_scoped3A = tpu.sem_alloc : memref<!tpu.dma_semaphore, #tpu.memory_space<semaphore_mem>>
        %dma_start3A = tpu.memref_slice %arg3[%mul3A_23] : memref<524288xi32, #tpu.memory_space<hbm>> -> memref<8192xi32, #tpu.memory_space<hbm>>
        %dma_start3A_26 = tpu.memref_slice %arg3[%mul3A_23] : memref<524288xi32, #tpu.memory_space<hbm>> -> memref<8192xi32, #tpu.memory_space<hbm>>
        tpu.enqueue_dma source(%arg6 : memref<8192xi32, #tpu.memory_space<vmem>>) target(%dma_start3A_26 : memref<8192xi32, #tpu.memory_space<hbm>>) target_semaphore(%run_scoped3A : memref<!tpu.dma_semaphore, #tpu.memory_space<semaphore_mem>>)
        %dma_wait3A = tpu.memref_slice %arg3[%mul3A_23] : memref<524288xi32, #tpu.memory_space<hbm>> -> memref<8192xi32, #tpu.memory_space<hbm>>
        %dma_wait3A_27 = tpu.memref_slice %arg3[%mul3A_23] : memref<524288xi32, #tpu.memory_space<hbm>> -> memref<8192xi32, #tpu.memory_space<hbm>>
        tpu.wait_dma2 semaphore(%run_scoped3A : memref<!tpu.dma_semaphore, #tpu.memory_space<semaphore_mem>>) src(%arg6 : memref<8192xi32, #tpu.memory_space<vmem>>) dst(%dma_wait3A_27 : memref<8192xi32, #tpu.memory_space<hbm>>)
        tpu.yield
      }) : () -> ()
      %mul3A_24 = arith.constant 16 : i32
      %mul3A_25 = arith.muli %add3A_14, %mul3A_24 : i32
      "tpu.region"() ({
        %run_scoped3A = tpu.sem_alloc : memref<!tpu.dma_semaphore, #tpu.memory_space<semaphore_mem>>
        %dma_start3A = tpu.memref_slice %arg4[%mul3A_25] : memref<524288xf32, #tpu.memory_space<hbm>> -> memref<8192xf32, #tpu.memory_space<hbm>>
        %dma_start3A_26 = tpu.memref_slice %arg4[%mul3A_25] : memref<524288xf32, #tpu.memory_space<hbm>> -> memref<8192xf32, #tpu.memory_space<hbm>>
        tpu.enqueue_dma source(%arg7 : memref<8192xf32, #tpu.memory_space<vmem>>) target(%dma_start3A_26 : memref<8192xf32, #tpu.memory_space<hbm>>) target_semaphore(%run_scoped3A : memref<!tpu.dma_semaphore, #tpu.memory_space<semaphore_mem>>)
        %dma_wait3A = tpu.memref_slice %arg4[%mul3A_25] : memref<524288xf32, #tpu.memory_space<hbm>> -> memref<8192xf32, #tpu.memory_space<hbm>>
        %dma_wait3A_27 = tpu.memref_slice %arg4[%mul3A_25] : memref<524288xf32, #tpu.memory_space<hbm>> -> memref<8192xf32, #tpu.memory_space<hbm>>
        tpu.wait_dma2 semaphore(%run_scoped3A : memref<!tpu.dma_semaphore, #tpu.memory_space<semaphore_mem>>) src(%arg7 : memref<8192xf32, #tpu.memory_space<vmem>>) dst(%dma_wait3A_27 : memref<8192xf32, #tpu.memory_space<hbm>>)
        tpu.yield
      }) : () -> ()
    }
    %scan3A_10 = arith.constant 2 : i32
    return
  }
}

module attributes {stable_mosaic.version = 14 : i64} {
  func.func @_logits_kernel(%arg0: i32, %arg1: memref<4096x768xf32, #tpu.memory_space<vmem>>, %arg2: memref<768x64xf32, #tpu.memory_space<vmem>>, %arg3: memref<4096x64xf32, #tpu.memory_space<vmem>>) attributes {dimension_semantics = [#tpu.dimension_semantics<arbitrary>], iteration_bounds = array<i64: 8>, scalar_prefetch = 0 : i64, scratch_operands = 0 : i64, tpu.core_type = #tpu.core_type<tc>, window_params = [{transform_indices = @transform_0, window_bounds = array<i64: 4096, 768>}, {pipeline_mode = #tpu.pipeline_mode<synchronous>, transform_indices = @transform_1, window_bounds = array<i64: 768, 64>}, {transform_indices = @transform_2, window_bounds = array<i64: 4096, 64>}]} {
    %get3A = arith.constant 0 : index
    %get3A_0 = arith.constant 0 : index
    %get3A_1 = vector.load %arg1[%get3A, %get3A_0] : memref<4096x768xf32, #tpu.memory_space<vmem>>, vector<4096x768xf32>
    %get3A_2 = arith.constant 0 : index
    %get3A_3 = arith.constant 0 : index
    %get3A_4 = vector.load %arg2[%get3A_2, %get3A_3] : memref<768x64xf32, #tpu.memory_space<vmem>>, vector<768x64xf32>
    %dot_general3A = arith.constant dense<0.000000e+00> : vector<4096x64xf32>
    %dot_general3A_5 = tpu.matmul %get3A_1, %get3A_4, %dot_general3A {dimension_numbers = #tpu.dot_dimension_numbers<[1], [0], [0], [1], [0, 0, 1, 1], [], []>, transpose_lhs_hint = false} : vector<4096x768xf32>, vector<768x64xf32>, vector<4096x64xf32> -> vector<4096x64xf32>
    %swap3A = arith.constant 0 : index
    %swap3A_6 = arith.constant 0 : index
    %swap3A_7 = vector.load %arg3[%swap3A, %swap3A_6] : memref<4096x64xf32, #tpu.memory_space<vmem>>, vector<4096x64xf32>
    tpu.vector_store %arg3[%swap3A, %swap3A_6], %dot_general3A_5 {strides = array<i32>} : memref<4096x64xf32, #tpu.memory_space<vmem>>, vector<4096x64xf32>,
    return
  }
  func.func @transform_0(%arg0: i32) -> (i32, i32) {
    %c0_i32 = arith.constant 0 : i32
    %c0_i32_0 = arith.constant 0 : i32
    return %arg0, %c0_i32 : i32, i32
  }
  func.func @transform_1(%arg0: i32) -> (i32, i32) {
    %c0_i32 = arith.constant 0 : i32
    %c0_i32_0 = arith.constant 0 : i32
    %c0_i32_1 = arith.constant 0 : i32
    return %c0_i32, %c0_i32_0 : i32, i32
  }
  func.func @transform_2(%arg0: i32) -> (i32, i32) {
    %c0_i32 = arith.constant 0 : i32
    %c0_i32_0 = arith.constant 0 : i32
    return %arg0, %c0_i32 : i32, i32
  }
}

</mosaic_0001>

<sc_bundles>
// kernel: kernel.4.cloned.1.call-start
scs
__scs_entry_jumppad:
0x0: {  	(pc) =	sbr.rel $0x88, $3  }
0x1: {  	(tag) =	ssettag $0x0;
	lr =	simm.s32 $0x1  }
0x2: {  	[smem:$0x3F9F] =	sst lr;
	_ =	strace $0xD0000000  }
0x3: {  	_ = 	snop  }
0x4: {  	_ = 	snop  }
0x5: {  	_ = 	snop  }
0x6: {  	_ = 	snop  }
0x7: {  	_ = 	snop  }
__scs_overlays_trampoline_lowered:
0x8: {  	[smem:$0x3FAE] =	sst s0  }
0x9: {  	[smem:$0x3FAF] =	sst s1  }
0xa: {  	[smem:$0x3FB0] =	sst s2  }
0xb: {  	[smem:$0x3FB1] =	sst s3  }
0xc: {  	[smem:$0x3FB2] =	sst s4  }
0xd: {  	[smem:$0x3FB3] =	sst s5  }
0xe: {  	[smem:$0x3FB4] =	sst s6  }
0xf: {  	[smem:$0x3FB5] =	sst s7  }
0x10: {  	[smem:$0x3FB6] =	sst s8  }
0x11: {  	[smem:$0x3FB7] =	sst s9;
	s0 =	simm.s32 @!p0 $0x0  }
0x12: {  	s1 =	sld [smem:$0x3F9D];
	s0 =	simm.s32 @p0 $0x1  }
0x13: {  	[smem:$0x3FB8] =	sst s0;
	s0 =	simm.s32 @!p1 $0x0  }
0x14: {  	s2 =	sld [smem:$0x3F9C];
	s0 =	simm.s32 @p1 $0x1  }
0x15: {  	[smem:$0x3FB9] =	sst s0;
	s0 =	simm.s32 @!p2 $0x0  }
0x16: {  	s3 =	sld [smem:$0x3FDB];
	s0 =	simm.s32 @p2 $0x1  }
0x17: {  	s4 =	simm.s32 $0x1BF5;
	[smem:$0x3FBB] =	sst s0  }
0x18: {  	s0 =	sld [smem:$0x3F9E];
	_ =	swait.ge [sflag:s4], $0x0  }
0x19: {  	s7 =	sld [smem:$0x3F9F]  }
0x1a: {  	s8 =	sadd.s32 $0xFFFFE003, lr  }
0x1b: {  	s9 =	sadd.s32 $0xFFFFFEF7, lr;
	s5 =	simm.s32 $0xFFFFFFFF;
	p2 =	slt.u32 s8, $0xFFFFF086  }
0x1c: {  	p1 =	slt.u32 s9, $0xF7A;
	s5 =	simm.s32 @!p2 $0x0  }
0x1d: {  	s5 =	simm.s32 @p1 $0x1;
	p0 =	seq.s32 s7, s2  }
0x1e: {  	s7 =	smul.u32 @!p0 $0xF7A, s2;
	p2 =	seq.s32 @!p0 s5, $0x0  }
0x1f: {  	s9 =	smul.u32 $0xF7A, s1;
	s8 =	simm.s32 @!p0 $0x1BF5;
	p2 =	por !p2, p0  }
0x20: {  	[sflag:s8] =	ssyncset.s32 @!p0 $0xFFFFF086;
	s6 =	sadd.s32 @!p0 s3, s7;
	s7 =	simm.s32 @!p0 $0x108  }
0x21: {  	s3 =	sadd.s32 s3, s9;
	s6 =	sadd.s32 @!p0 $0x88, s6;
	s7 =	simm.s32 @p2 $0x1082  }
0x22: {  	[simem:s7], [sflag:s8] =	dma.local @!p0 [hbm:s6], $0xF7A  }
0x23: {  	s9 =	sor.u32 $0xD0000000, s2;
	s6 =	simm.s32 $0x108;
	_ =	swait.ge @!p0 [sflag:s8], $0x0  }
0x24: {  	s3 =	sadd.s32 $0x88, s3;
	s6 =	simm.s32 @!p1 $0x1082;
	[sflag:s4] =	ssyncset.s32 $0xFFFFF086  }
0x25: {  	[simem:s6], [sflag:s4] =	dma.local [hbm:s3], $0xF7A  }
0x26: {  	[smem:$0x3F9F] =	sst s1;
	(tag) =	ssettag s2;
	_ =	strace s9  }
0x27: {  	s1 =	sld [smem:$0x3FAF]  }
0x28: {  	s2 =	sld [smem:$0x3FB0]  }
0x29: {  	s4 =	sld [smem:$0x3FB2]  }
0x2a: {  	p0 =	seq.s32 s5, $0x0;
	s5 =	sld [smem:$0x3FB3]  }
0x2b: {  	s6 =	sld [smem:$0x3FB4]  }
0x2c: {  	s7 =	sld [smem:$0x3FB5]  }
0x2d: {  	s3 =	simm.s32 $0x108;
	s8 =	sld [smem:$0x3FB6]  }
0x2e: {  	s3 =	simm.s32 @!p0 $0x1082;
	s9 =	sld [smem:$0x3FB7]  }
0x2f: {  	lr =	sadd.s32 s0, s3;
	s0 =	sld [smem:$0x3FAE]  }
0x30: {  	s3 =	sld [smem:$0x3FB1]  }
0x31: {  	[smem:$0x3FBA] =	sst s10  }
0x32: {  	s10 =	sld [smem:$0x3FB8];
	_ =	sdelay $0x3  }
0x33: {  	p0 =	seq.s32 s10, $0x1;
	s10 =	sld [smem:$0x3FBA];
	_ =	sdelay $0x3  }
0x34: {  	[smem:$0x3FBA] =	sst s10  }
0x35: {  	s10 =	sld [smem:$0x3FB9];
	_ =	sdelay $0x3  }
0x36: {  	p1 =	seq.s32 s10, $0x1;
	s10 =	sld [smem:$0x3FBA];
	_ =	sdelay $0x3  }
0x37: {  	[smem:$0x3FBA] =	sst s10  }
0x38: {  	s10 =	sld [smem:$0x3FBB]  }
0x39: {  	_ = 	snop;
	(pc) =	sbr.ind lr, $3  }
0x3a: {  	_ = 	snop  }
0x3b: {  	_ = 	snop  }
0x3c: {  	p2 =	seq.s32 s10, $0x1;
	s10 =	sld [smem:$0x3FBA]  }
0x3d: {  	_ =	shalt  }
0x3e: {  	_ =	shalt  }
0x3f: {  	_ =	shalt  }
0x40: {  	_ =	shalt  }
0x41: {  	_ =	shalt  }
0x42: {  	_ =	shalt  }
0x43: {  	_ =	shalt  }
0x44: {  	_ =	shalt  }
0x45: {  	_ =	shalt  }
0x46: {  	_ =	shalt  }
0x47: {  	_ =	shalt  }
0x48: {  	_ =	shalt  }
0x49: {  	_ =	shalt  }
0x4a: {  	_ =	shalt  }
0x4b: {  	_ =	shalt  }
0x4c: {  	_ =	shalt  }
0x4d: {  	_ =	shalt  }
0x4e: {  	_ =	shalt  }
0x4f: {  	_ =	shalt  }
0x50: {  	_ =	shalt  }
0x51: {  	_ =	shalt  }
0x52: {  	_ =	shalt  }
0x53: {  	_ =	shalt  }
0x54: {  	_ =	shalt  }
0x55: {  	_ =	shalt  }
0x56: {  	_ =	shalt  }
0x57: {  	_ =	shalt  }
0x58: {  	_ =	shalt  }
0x59: {  	_ =	shalt  }
0x5a: {  	_ =	shalt  }
0x5b: {  	_ =	shalt  }
0x5c: {  	_ =	shalt  }
0x5d: {  	_ =	shalt  }
0x5e: {  	_ =	shalt  }
0x5f: {  	_ =	shalt  }
0x60: {  	_ =	shalt  }
0x61: {  	_ =	shalt  }
0x62: {  	_ =	shalt  }
0x63: {  	_ =	shalt  }
0x64: {  	_ =	shalt  }
0x65: {  	_ =	shalt  }
0x66: {  	_ =	shalt  }
0x67: {  	_ =	shalt  }
0x68: {  	_ =	shalt  }
0x69: {  	_ =	shalt  }
0x6a: {  	_ =	shalt  }
0x6b: {  	_ =	shalt  }
0x6c: {  	_ =	shalt  }
0x6d: {  	_ =	shalt  }
0x6e: {  	_ =	shalt  }
0x6f: {  	_ =	shalt  }
0x70: {  	_ =	shalt  }
0x71: {  	_ =	shalt  }
0x72: {  	_ =	shalt  }
0x73: {  	_ =	shalt  }
0x74: {  	_ =	shalt  }
0x75: {  	_ =	shalt  }
0x76: {  	_ =	shalt  }
0x77: {  	_ =	shalt  }
0x78: {  	_ =	shalt  }
0x79: {  	_ =	shalt  }
0x7a: {  	_ =	shalt  }
0x7b: {  	_ =	shalt  }
0x7c: {  	_ =	shalt  }
0x7d: {  	_ =	shalt  }
0x7e: {  	_ =	shalt  }
0x7f: {  	_ =	shalt  }
0x80: {  	_ =	shalt  }
0x81: {  	_ =	shalt  }
0x82: {  	_ =	shalt  }
0x83: {  	_ =	shalt  }
0x84: {  	_ =	shalt  }
0x85: {  	_ =	shalt  }
0x86: {  	_ =	shalt  }
0x87: {  	_ =	shalt  }
.Lfunc_end0:
.L_simem_size_0:
called_computation_lowered:
.L_overlay_start_0:
0x88: {  	s2 =	sld [smem:$0x3FD9]  }
0x89: {  	s3 =	sld [smem:$0x3FFE];
	_ =	sdelay $0x1  }
0x8a: {  	s1 =	srdreg.scid  }
0x8b: {  	s0 =	sand.u32 $0x1, s1  }
0x8c: {  	s16 =	sshll.u32 s0, $0xA;
	s2 =	sadd.s32 s3, s2  }
0x8d: {  	s2 =	sadd.s32 s2, s16  }
0x8e: {  	[smem:$0x3FC6] =	sst s2  }
0x8f: {  	_ = 	snop  }
0x90: {  	(tm) =	ssettm $0x1  }
0x91: {  	s17 =	sld [smem:$0x3FFB];
	_ =	sdelay $0x3  }
0x92: {  	_ =	strace s17  }
0x93: {  	s2 =	sld [smem:$0x3FFC];
	_ =	sdelay $0x3  }
0x94: {  	_ =	strace s2  }
0x95: {  	s2 =	sld [smem:$0x3FFD];
	_ =	sdelay $0x3  }
0x96: {  	_ =	strace s2  }
0x97: {  	_ =	strace $0x8FFFFFFF  }
0x98: {  	s18 =	sld [smem:$0x3FDB];
	_ =	sdelay $0x1  }
0x99: {  	s19 =	simm.s32 $_scs_section_size  }
0x9a: {  	s4 =	simm.s32 $_size__tile_overlayer_lowered;
	s5 =	simm.s32 $_tile_overlayer_lowered  }
0x9b: {  	s22 =	simm.s32 $0x1BFF;
	s21 =	sshll.u32 s5, $0x1;
	s2 =	sadd.s32 s19, s18  }
0x9c: {  	s6 =	simm.s32 $0x0;
	s20 =	sshll.u32 s4, $0x1;
	s4 =	sadd.s32 s21, s2  }
0x9d: {  	[timem:s6], [sflag:s22] =	dma.local [hbm:s4], s20  }
0x9e: {  	_ =	swait.ge [sflag:s22], s20  }
0x9f: {  	s3 =	ssub.s32 $0x0, s20;
	[sflag:s22] =	ssyncset.done $0x0  }
0xa0: {  	[sflag:s22] =	ssyncadd.s32 s3;
	_ =	sdelay $0x1  }
0xa1: {  	s23 =	simm.s32 $0x1B8B  }
0xa2: {  	_ =	swait.ge [sflag:s23], $0x1  }
0xa3: {  	[sflag:s23] =	ssyncset.done $0x0  }
0xa4: {  	s25 =	simm.s32 $0x1B8E;
	s24 =	sld [smem:$0x3FFE];
	[sflag:s23] =	ssyncadd.s32 $0xFFFFFFFF  }
0xa5: {  	s26 =	simm.s32 $execute0_lowered;
	[smem:$0x3FD2] =	sst s25  }
0xa6: {  	s4 =	sshll.u32 s26, $0x1;
	_ =	strace $0x80000046;
	[dreg:$0x1] =	wrdreg $0xFFFFFFFF  }
0xa7: {  	s28 =	simm.s32 $_size_execute0_lowered;
	s2 =	sadd.s32 s2, s4;
	[dreg:$0x0] =	wrdreg $0x0  }
0xa8: {  	s4 =	sshll.u32 s28, $0x1;
	[dreg:$0x2] =	wrdreg s2  }
0xa9: {  	[dreg:$0x3] =	wrdreg s4  }
0xaa: {  	[dreg:$0x4] =	wrdreg $0xC0  }
0xab: {  	_ =	task [dreg:s6], $0x5FFFF  }
0xac: {  	[dreg:$0x1] =	wrdreg $0xFFFFFFFF  }
0xad: {  	[dreg:$0x0] =	wrdreg $0x60  }
0xae: {  	[dreg:$0x2] =	wrdreg s24  }
0xaf: {  	[dreg:$0x3] =	wrdreg $0x9  }
0xb0: {  	_ =	task.clear_ibuf [dreg:s6], $0x4FFFF;
	_ =	strace $0x90000046  }
0xb1: {  	s29 =	simm.s32 $0x9;
	_ =	strace $0x80000048  }
0xb2: {  	_ =	swait.ge [sflag:s29], $0x1  }
0xb3: {  	[sflag:s29] =	ssyncadd.s32 $0xFFFFFFFF  }
0xb4: {  	_ =	strace $0x90000048  }
0xb5: {  	_ =	sfence  }
0xb6: {  	s30 =	sld [smem:$0x0];
	_ =	sdelay $0x2  }
0xb7: {  	s31 =	sshll.u32 s1, $0xD;
	s1 =	sshrl.u32 s1, $0x2  }
0xb8: {  	s3 =	sand.u32 $0x4000, s31;
	s1 =	sadd.s32 s1, s30  }
0xb9: {  	s0 =	sor.u32 s3, s0;
	s1 =	sshll.u32 s1, $0x11  }
0xba: {  	s0 =	sor.u32 s1, s0  }
0xbb: {  	s0 =	sadd.s32 $0x8F2B, s0  }
0xbc: {  	[sflag:s0] =	ssyncadd.remote.s32 $0x1  }
0xbd: {  	_ =	sfence.sel $0xFFFF  }
0xbe: {  	[dreg:$0x0] =	wrdreg $0xFFFFFFFF;
	(pc) =	sbr.abs _section_cstart, $3  }
0xbf: {  	[dreg:$0x1] =	wrdreg $0xFFFFFFFF  }
0xc0: {  	_ =	task.clear_ibuf [dreg:s6], $0x2FFFF;
	_ =	strace $0x9FFFFFFF  }
0xc1: {  	(tm) =	ssettm $0x7FFFFFFF  }
tec
execute0_lowered:
.L_overlay_start_1:
0x0: {  	(tag) =	ssettag $0x1  }
0x1: {  	v0 =	vimm.s32 $0xE40000  }
0x2: {  	s2 =	rddreg [dreg:$0x0];
	v0 =	vunpack.c.l.s2.s4 v0  }
0x3: {  	s0 =	rddreg [dreg:$0x1];
	s1 =	simm.s32 $0x0;
	s3 =	srdreg.scid  }
0x4: {  	s9 =	simm.s32 $0x8000;
	s10 =	simm.s32 $0xA000;
	s11 =	simm.s32 $0x0;
	v1 =	vunpack.c.l.s4.s8 v0  }
0x5: {  	[smem:$0x7FF] =	sst s1;
	s6 =	sand.u32 $0x1, s3;
	s3 =	sadd.s32 $0xA00, s2  }
0x6: {  	v2 =	vimm.s32 $0x7060504;
	s4 =	sadd.s32 $0x40A00, s2;
	s5 =	sadd.s32 $0x50A00, s2;
	s7 =	ssub.s32 $0x2, s6;
	v3 =	vunpack.c.0.s8.s32 v1  }
0x7: {  	vm0 =	vcmask $0x3F30;
	s2 =	stileid.u32;
	v4 =	vunpack.c.0.s8.s32 v2;
	_ =	strace $0x80000047;
	s8 =	sshrl.u32 s7, $0x1;
	v0 =	vlaneseq.u32  }
0x8: {  	s31 =	sshll.u32 s2, $0xB;
	s6 =	sshll.u32 s6, $0xA;
	s7 =	ssub.s32 s7, s8;
	v2 =	vor.u32 $0x20, v0;
	v1 =	vor.u32 $0x10, v0;
	v5 =	vand.u32 $0x3, v3  }
0x9: {  	s6 =	sor.u32 s6, s31;
	s8 =	simm.s32 $0x1;
	s7 =	smax.u32 s7, $0x1;
	v3 =	vor.u32 $0x30, v0;
	v4 =	vsel vm0, v4, v5;
	vm0 =	vmmov $0xff  }
.LBB2_1:
0xa: {  	p1 =	por $0x1, $0x1;
	s12 =	simm.s32 $0x0  }
.LBB2_2:
0xb: {  	s12 =	sor.u32 s6, s12  }
0xc: {  	s13 =	sshll.u32 s12, $0x3  }
0xd: {  	s14 =	sadd.s32 s3, s13;
	s13 =	simm.s32 $0x0  }
0xe: {  	[tilespmem:s13], [sflag:$0x1] =	stream.linear.gather [hbm4b:s14+s13], $0x8000, $0x38;
	[tilespmem:$0xC000] =	vst v63  }
0xf: {  	_ =	swait.ge [sflag:s8], $0x8000  }
0x10: {  	p0 =	por p1, p1;
	[sflag:s8] =	ssyncset.done $0x0  }
0x11: {  	s15 =	simm.s32 $0x80;
	s14 =	simm.s32 $0xFFFFFFFC;
	[sflag:s8] =	ssyncadd.s32 $0xFFFF8000  }
.LBB2_3:
0x12: {  	v5 =	vld [tilespmem:s15+$0xFFFFFF80]  }
0x13: {  	v6 =	vld [tilespmem:s15+$0xFFFFFF90]  }
0x14: {  	v7 =	vld [tilespmem:s15+$0xFFFFFFA0]  }
0x15: {  	v8 =	vld [tilespmem:s15+$0xFFFFFFB0];
	_ =	sdelay $0x1  }
0x16: {  	(xrf1) =	vsort.dscd.msk.f32 $0xffff, v5, v0  }
0x17: {  	(xrf1) =	vsort.dscd.msk.f32 $0xffff, v6, v1  }
0x18: {  	(xrf1) =	vsort.dscd.msk.f32 $0xffff, v7, v2  }
0x19: {  	(xrf1) =	vsort.dscd.msk.f32 $0xffff, v8, v3;
	_ =	sdelay $0xa  }
0x1a: {  	v5, v6, _ =	vpop (xrf1)  }
0x1b: {  	v7, v41, _ =	vpop (xrf1)  }
0x1c: {  	v9, v10, _ =	vpop (xrf1)  }
0x1d: {  	v7 =	vperm.xlane v7, v4;
	v8 =	vperm.xlane v41, v4;
	v11, v12, _ =	vpop (xrf1)  }
0x1e: {  	v11 =	vperm.xlane v11, v4;
	v12 =	vperm.xlane v12, v4  }
0x1f: {  	v5 =	vsel vm0, v5, v7;
	v6 =	vsel vm0, v6, v8  }
0x20: {  	(xrf1) =	vsort.dscd.msk.f32 $0xffff, v5, v6;
	v5 =	vsel vm0, v9, v11;
	v6 =	vsel vm0, v10, v12  }
0x21: {  	(xrf1) =	vsort.dscd.msk.f32 $0xffff, v5, v6;
	_ =	sdelay $0xc  }
0x22: {  	v5, v6, _ =	vpop (xrf1)  }
0x23: {  	v7, v42, _ =	vpop (xrf1)  }
0x24: {  	v7 =	vperm.xlane v7, v4;
	v8 =	vperm.xlane v42, v4;
	_ =	sdelay $0x1  }
0x25: {  	v5 =	vsel vm0, v5, v7;
	v6 =	vsel vm0, v6, v8  }
0x26: {  	(xrf1) =	vsort.dscd.msk.f32 $0xffff, v5, v6;
	_ =	sdelay $0xd  }
0x27: {  	v5, v6, _ =	vpop (xrf1)  }
0x28: {  	(xrf0) =	vmax.scan.msk.f32 $0xffff, v5;
	_ =	sdelay $0x5  }
0x29: {  	v7, _, _ =	vpop (xrf0)  }
0x2a: {  	v7 =	vbroadcast v7, $0xF;
	_ =	sdelay $0x1  }
0x2b: {  	v5 =	vsub.f32 v5, v7;
	_ =	sdelay $0x1  }
0x2c: {  	v5 =	vmul.f32 $1.442695020e+00, v5;
	_ =	sdelay $0x1  }
0x2d: {  	(erf) = vpow2.f32 v5;
	_ =	sdelay $0x8  }
0x2e: {  	v5 =	vpop (erf)  }
0x2f: {  	v7 =	vnsel vm0, $0x0, v5  }
0x30: {  	(xrf2) =	vadd.scan.msk.f32 $0xffff, v7;
	_ =	sdelay $0x9  }
0x31: {  	v7, _, _ =	vpop (xrf2)  }
0x32: {  	v7 =	vbroadcast v7, $0xF;
	_ =	sdelay $0x1  }
0x33: {  	(erf) = vrcp.f32 v7;
	_ =	sdelay $0x8  }
0x34: {  	v7 =	vpop (erf)  }
0x35: {  	s16 =	sshra.s32 s13, $0x2;
	v5 =	vmul.f32 v7, v5  }
0x36: {  	[tilespmem:s16+$0x8000] =	vst v6  }
0x37: {  	s17 =	sadd.s32 $0x40, s13;
	[tilespmem:s16+$0xA000] =	vst v5  }
0x38: {  	s18 =	sor.u32 $0x50, s17;
	v5 =	vld [tilespmem:s15+$0xFFFFFFC0]  }
0x39: {  	s28 =	sor.u32 $0x60, s17;
	v6 =	vld [tilespmem:s18+$0x0]  }
0x3a: {  	s17 =	sor.u32 $0x70, s17;
	v7 =	vld [tilespmem:s28+$0x0]  }
0x3b: {  	v43 =	vld [tilespmem:s17+$0x0];
	_ =	sdelay $0x1  }
0x3c: {  	(xrf1) =	vsort.dscd.msk.f32 $0xffff, v5, v0  }
0x3d: {  	(xrf1) =	vsort.dscd.msk.f32 $0xffff, v6, v1  }
0x3e: {  	(xrf1) =	vsort.dscd.msk.f32 $0xffff, v7, v2  }
0x3f: {  	(xrf1) =	vsort.dscd.msk.f32 $0xffff, v43, v3;
	_ =	sdelay $0xa  }
0x40: {  	v5, v6, _ =	vpop (xrf1)  }
0x41: {  	v7, v44, _ =	vpop (xrf1)  }
0x42: {  	v45, v46, _ =	vpop (xrf1)  }
0x43: {  	v7 =	vperm.xlane v7, v4;
	v8 =	vperm.xlane v44, v4;
	v47, v48, _ =	vpop (xrf1)  }
0x44: {  	v11 =	vperm.xlane v47, v4;
	v12 =	vperm.xlane v48, v4  }
0x45: {  	v5 =	vsel vm0, v5, v7;
	v6 =	vsel vm0, v6, v8  }
0x46: {  	(xrf1) =	vsort.dscd.msk.f32 $0xffff, v5, v6;
	v5 =	vsel vm0, v45, v11;
	v6 =	vsel vm0, v46, v12  }
0x47: {  	(xrf1) =	vsort.dscd.msk.f32 $0xffff, v5, v6;
	_ =	sdelay $0xc  }
0x48: {  	v5, v6, _ =	vpop (xrf1)  }
0x49: {  	v7, v49, _ =	vpop (xrf1)  }
0x4a: {  	v7 =	vperm.xlane v7, v4;
	v8 =	vperm.xlane v49, v4;
	_ =	sdelay $0x1  }
0x4b: {  	v5 =	vsel vm0, v5, v7;
	v6 =	vsel vm0, v6, v8  }
0x4c: {  	(xrf1) =	vsort.dscd.msk.f32 $0xffff, v5, v6;
	_ =	sdelay $0xd  }
0x4d: {  	v5, v6, _ =	vpop (xrf1)  }
0x4e: {  	(xrf0) =	vmax.scan.msk.f32 $0xffff, v5;
	_ =	sdelay $0x5  }
0x4f: {  	v7, _, _ =	vpop (xrf0)  }
0x50: {  	v7 =	vbroadcast v7, $0xF;
	_ =	sdelay $0x1  }
0x51: {  	v5 =	vsub.f32 v5, v7;
	_ =	sdelay $0x1  }
0x52: {  	v5 =	vmul.f32 $1.442695020e+00, v5;
	_ =	sdelay $0x1  }
0x53: {  	(erf) = vpow2.f32 v5;
	_ =	sdelay $0x8  }
0x54: {  	v5 =	vpop (erf)  }
0x55: {  	v7 =	vnsel vm0, $0x0, v5  }
0x56: {  	(xrf2) =	vadd.scan.msk.f32 $0xffff, v7;
	_ =	sdelay $0x9  }
0x57: {  	v7, _, _ =	vpop (xrf2)  }
0x58: {  	v7 =	vbroadcast v7, $0xF;
	_ =	sdelay $0x1  }
0x59: {  	(erf) = vrcp.f32 v7;
	_ =	sdelay $0x8  }
0x5a: {  	v7 =	vpop (erf)  }
0x5b: {  	v5 =	vmul.f32 v7, v5  }
0x5c: {  	[tilespmem:s16+$0x8010] =	vst v6  }
0x5d: {  	[tilespmem:s16+$0xA010] =	vst v5  }
0x5e: {  	v5 =	vld [tilespmem:s15+$0x0]  }
0x5f: {  	v6 =	vld [tilespmem:s15+$0x10]  }
0x60: {  	v7 =	vld [tilespmem:s15+$0x20]  }
0x61: {  	v50 =	vld [tilespmem:s15+$0x30];
	_ =	sdelay $0x1  }
0x62: {  	(xrf1) =	vsort.dscd.msk.f32 $0xffff, v5, v0  }
0x63: {  	(xrf1) =	vsort.dscd.msk.f32 $0xffff, v6, v1  }
0x64: {  	(xrf1) =	vsort.dscd.msk.f32 $0xffff, v7, v2  }
0x65: {  	(xrf1) =	vsort.dscd.msk.f32 $0xffff, v50, v3;
	_ =	sdelay $0xa  }
0x66: {  	v5, v6, _ =	vpop (xrf1)  }
0x67: {  	v7, v51, _ =	vpop (xrf1)  }
0x68: {  	v52, v53, _ =	vpop (xrf1)  }
0x69: {  	v7 =	vperm.xlane v7, v4;
	v8 =	vperm.xlane v51, v4;
	v54, v55, _ =	vpop (xrf1)  }
0x6a: {  	v11 =	vperm.xlane v54, v4;
	v12 =	vperm.xlane v55, v4  }
0x6b: {  	v5 =	vsel vm0, v5, v7;
	v6 =	vsel vm0, v6, v8  }
0x6c: {  	(xrf1) =	vsort.dscd.msk.f32 $0xffff, v5, v6;
	v5 =	vsel vm0, v52, v11;
	v6 =	vsel vm0, v53, v12  }
0x6d: {  	(xrf1) =	vsort.dscd.msk.f32 $0xffff, v5, v6;
	_ =	sdelay $0xc  }
0x6e: {  	v5, v6, _ =	vpop (xrf1)  }
0x6f: {  	v7, v56, _ =	vpop (xrf1)  }
0x70: {  	v7 =	vperm.xlane v7, v4;
	v8 =	vperm.xlane v56, v4;
	_ =	sdelay $0x1  }
0x71: {  	v5 =	vsel vm0, v5, v7;
	v6 =	vsel vm0, v6, v8  }
0x72: {  	(xrf1) =	vsort.dscd.msk.f32 $0xffff, v5, v6;
	_ =	sdelay $0xd  }
0x73: {  	v5, v6, _ =	vpop (xrf1)  }
0x74: {  	(xrf0) =	vmax.scan.msk.f32 $0xffff, v5;
	_ =	sdelay $0x5  }
0x75: {  	v7, _, _ =	vpop (xrf0)  }
0x76: {  	v7 =	vbroadcast v7, $0xF;
	_ =	sdelay $0x1  }
0x77: {  	v5 =	vsub.f32 v5, v7;
	_ =	sdelay $0x1  }
0x78: {  	v5 =	vmul.f32 $1.442695020e+00, v5;
	_ =	sdelay $0x1  }
0x79: {  	(erf) = vpow2.f32 v5;
	_ =	sdelay $0x8  }
0x7a: {  	v5 =	vpop (erf)  }
0x7b: {  	v7 =	vnsel vm0, $0x0, v5  }
0x7c: {  	(xrf2) =	vadd.scan.msk.f32 $0xffff, v7;
	_ =	sdelay $0x9  }
0x7d: {  	v7, _, _ =	vpop (xrf2)  }
0x7e: {  	v7 =	vbroadcast v7, $0xF;
	_ =	sdelay $0x1  }
0x7f: {  	(erf) = vrcp.f32 v7;
	_ =	sdelay $0x8  }
0x80: {  	v7 =	vpop (erf)  }
0x81: {  	v5 =	vmul.f32 v7, v5  }
0x82: {  	[tilespmem:s16+$0x8020] =	vst v6  }
0x83: {  	s29 =	sadd.s32 $0xC0, s13;
	[tilespmem:s16+$0xA020] =	vst v5  }
0x84: {  	s30 =	sor.u32 $0x50, s29;
	v5 =	vld [tilespmem:s15+$0x40]  }
0x85: {  	s31 =	sor.u32 $0x60, s29;
	v6 =	vld [tilespmem:s30+$0x0]  }
0x86: {  	s17 =	sor.u32 $0x70, s29;
	v7 =	vld [tilespmem:s31+$0x0]  }
0x87: {  	v57 =	vld [tilespmem:s17+$0x0];
	_ =	sdelay $0x1  }
0x88: {  	(xrf1) =	vsort.dscd.msk.f32 $0xffff, v5, v0  }
0x89: {  	(xrf1) =	vsort.dscd.msk.f32 $0xffff, v6, v1  }
0x8a: {  	(xrf1) =	vsort.dscd.msk.f32 $0xffff, v7, v2  }
0x8b: {  	(xrf1) =	vsort.dscd.msk.f32 $0xffff, v57, v3;
	_ =	sdelay $0xa  }
0x8c: {  	v5, v6, _ =	vpop (xrf1)  }
0x8d: {  	v7, v58, _ =	vpop (xrf1)  }
0x8e: {  	v59, v60, _ =	vpop (xrf1)  }
0x8f: {  	v7 =	vperm.xlane v7, v4;
	v8 =	vperm.xlane v58, v4;
	v61, v62, _ =	vpop (xrf1)  }
0x90: {  	v11 =	vperm.xlane v61, v4;
	v12 =	vperm.xlane v62, v4  }
0x91: {  	v5 =	vsel vm0, v5, v7;
	v6 =	vsel vm0, v6, v8  }
0x92: {  	(xrf1) =	vsort.dscd.msk.f32 $0xffff, v5, v6;
	v5 =	vsel vm0, v59, v11;
	v6 =	vsel vm0, v60, v12  }
0x93: {  	(xrf1) =	vsort.dscd.msk.f32 $0xffff, v5, v6;
	_ =	sdelay $0xc  }
0x94: {  	v5, v6, _ =	vpop (xrf1)  }
0x95: {  	v7, v63, _ =	vpop (xrf1)  }
0x96: {  	v7 =	vperm.xlane v7, v4;
	v8 =	vperm.xlane v63, v4;
	_ =	sdelay $0x1  }
0x97: {  	v5 =	vsel vm0, v5, v7;
	v6 =	vsel vm0, v6, v8  }
0x98: {  	(xrf1) =	vsort.dscd.msk.f32 $0xffff, v5, v6;
	_ =	sdelay $0xd  }
0x99: {  	v5, v6, _ =	vpop (xrf1)  }
0x9a: {  	(xrf0) =	vmax.scan.msk.f32 $0xffff, v5;
	_ =	sdelay $0x5  }
0x9b: {  	v7, _, _ =	vpop (xrf0)  }
0x9c: {  	v7 =	vbroadcast v7, $0xF;
	_ =	sdelay $0x1  }
0x9d: {  	v5 =	vsub.f32 v5, v7;
	_ =	sdelay $0x1  }
0x9e: {  	v5 =	vmul.f32 $1.442695020e+00, v5;
	_ =	sdelay $0x1  }
0x9f: {  	(erf) = vpow2.f32 v5;
	_ =	sdelay $0x8  }
0xa0: {  	v5 =	vpop (erf)  }
0xa1: {  	v7 =	vnsel vm0, $0x0, v5  }
0xa2: {  	(xrf2) =	vadd.scan.msk.f32 $0xffff, v7;
	_ =	sdelay $0x9  }
0xa3: {  	v7, _, _ =	vpop (xrf2)  }
0xa4: {  	v7 =	vbroadcast v7, $0xF;
	_ =	sdelay $0x1  }
0xa5: {  	(erf) = vrcp.f32 v7;
	_ =	sdelay $0x5  }
0xa6: {  	s14 =	sadd.s32 $0x4, s14  }
0xa7: {  	p1 =	slt.u32 s14, $0x1FC  }
.Ltmp0:
0xa8: {  	_ = 	snop;
	(pc) =	sbr.rel @p1 .LBB2_3-.Ltmp0, $4  }
0xa9: {  	v7 =	vpop (erf)  }
0xaa: {  	v5 =	vmul.f32 v7, v5  }
0xab: {  	[tilespmem:s16+$0x8030] =	vst v6  }
0xac: {  	s13 =	sadd.s32 $0x100, s13;
	s15 =	sadd.s32 $0x100, s15;
	[tilespmem:s16+$0xA030] =	vst v5  }
0xad: {  	s12 =	sshll.u32 s12, $0x1  }
0xae: {  	s13 =	sadd.s32 s4, s12  }
0xaf: {  	[hbm4b:s13+s1] =	stream.linear.scatter [tilespmem:s9], [sflag:$0x1], $0x2000, $0x38;
	[tilespmem:$0xC000] =	vst v63  }
0xb0: {  	_ =	swait.ge [sflag:s8], $0x2000  }
0xb1: {  	[sflag:s8] =	ssyncset.done $0x0  }
.Ltmp1:
0xb2: {  	s12 =	sadd.s32 s5, s12;
	[sflag:s8] =	ssyncadd.s32 $0xFFFFE000;
	(pc) =	sbr.rel @p0 .LBB2_2-.Ltmp1, $4  }
0xb3: {  	[hbm4b:s12+s1] =	stream.linear.scatter [tilespmem:s10], [sflag:$0x1], $0x2000, $0x38;
	[tilespmem:$0xC000] =	vst v63  }
0xb4: {  	_ =	swait.ge [sflag:s8], $0x2000  }
0xb5: {  	[sflag:s8] =	ssyncset.done $0x0  }
0xb6: {  	p1 =	por $0x0, $0x0;
	s12 =	simm.s32 $0x200;
	[sflag:s8] =	ssyncadd.s32 $0xFFFFE000  }
0xb7: {  	s11 =	sadd.s32 $0x1, s11  }
0xb8: {  	p0 =	sne.s32 s11, s7  }
.Ltmp2:
0xb9: {  	_ = 	snop;
	(pc) =	sbr.rel @p0 .LBB2_1-.Ltmp2, $1  }
0xba: {  	_ =	sdelay $0x3  }
0xbb: {  	_ =	sfence.sel $0x180000  }
0xbc: {  	[bflag:$0x0] =	sbarrier.arrive $0xFFFF  }
0xbd: {  	p0 =	sne.s32 s2, $0x0;
	_ =	strace $0x90000047  }
0xbe: {  	s0 =	sadd.s32 @!p0 $0x100000, s0;
	[bflag:$0x2] =	sbarrier.arrive $0xFFFF  }
0xbf: {  	[sflag:s0] =	ssyncadd.tile.s32 @!p0 $0x1;
	_ =	shalt  }
.Lfunc_end2:
_tile_overlayer_lowered:
.L_overlay_start_2:
0xc0: {  	(tag) =	ssettag $0x2  }
0xc1: {  	s0 =	rddreg [dreg:$0x0];
	s2 =	stileid.u32  }
0xc2: {  	s1 =	rddreg [dreg:$0x1];
	p0 =	sne.s32 s2, $0x0  }
0xc3: {  	s3 =	rddreg [dreg:$0x2];
	[bflag:$0x3] =	sbarrier.arrive $0xFFFF;
	s2 =	simm.s32 @!p0 $0x1C01  }
0xc4: {  	[timem:s3], [sflag:s2] =	dma.local @!p0 [hbm:s0], s1  }
0xc5: {  	s0 =	simm.s32 @!p0 $0x1  }
0xc6: {  	_ =	swait.ge @!p0 [sflag:s0], s1  }
0xc7: {  	s1 =	ssub.s32 @!p0 $0x0, s1;
	[sflag:s0] =	ssyncset.done @!p0 $0x0  }
0xc8: {  	[sflag:s0] =	ssyncadd.s32 @!p0 s1  }
0xc9: {  	[bflag:$0x3] =	sbarrier.arrive $0xFFFF  }
0xca: {  	_ =	shalt  }

</sc_bundles>
